<compile_context>
chip_gen: v7x
topology: tpu7x:2x2x1
jax: 0.10.2.dev20260603
libtpu: 0.0.44.dev20260713+nightly
codegen_flags: <defaults>
</compile_context>

<pallas_src>
import functools

import jax
import jax.numpy as jnp
from jax import lax
from jax.experimental import pallas as pl
from jax.experimental.pallas import tpu as pltpu
from jax.experimental.pallas import tpu_sc as plsc

BATCH = 4096
LENGTH = 200
DIM = 32
B = BATCH * LENGTH
NC, NS = 2, 16
NW = NC * NS
BPW = B // NW
CHUNK = 1600
NCHUNK = BPW // CHUNK

_mesh = plsc.VectorSubcoreMesh(
    core_axis_name="c", subcore_axis_name="s", num_cores=NC, num_subcores=NS
)


@functools.partial(
    pl.kernel,
    out_type=jax.ShapeDtypeStruct((B, DIM), jnp.float32),
    mesh=_mesh,
    scratch_types=[
        pltpu.VMEM((CHUNK,), jnp.int32),
        pltpu.VMEM((CHUNK,), jnp.int32),
        pltpu.VMEM((CHUNK, DIM), jnp.float32),
        pltpu.VMEM((CHUNK, DIM), jnp.float32),
        pltpu.SemaphoreType.DMA,
        pltpu.SemaphoreType.DMA,
        pltpu.SemaphoreType.DMA,
        pltpu.SemaphoreType.DMA,
        pltpu.SemaphoreType.DMA,
        pltpu.SemaphoreType.DMA,
    ],
    compiler_params=pltpu.CompilerParams(use_tc_tiling_on_sc=False),
)
def _gather_kernel(ids_hbm, table_hbm, out_hbm, idx_a, idx_b, rows_a,
                   rows_b, si_a, si_b, sg_a, sg_b, so_a, so_b):
    idx = (idx_a, idx_b)
    rows = (rows_a, rows_b)
    si = (si_a, si_b)
    sg = (sg_a, sg_b)
    so = (so_a, so_b)

    wid = lax.axis_index("s") * NC + lax.axis_index("c")
    base = wid * BPW

    def ids_slice(j):
        return ids_hbm.at[pl.ds(base + j * CHUNK, CHUNK)]

    def out_slice(j):
        return out_hbm.at[pl.ds(base + j * CHUNK, CHUNK)]

    pltpu.async_copy(ids_slice(0), idx[0], si[0])

    for j in range(NCHUNK):
        b = j % 2
        o = (j + 1) % 2
        pltpu.make_async_copy(ids_slice(j), idx[b], si[b]).wait()
        if j >= 2:
            pltpu.make_async_copy(rows[b], out_slice(j - 2), so[b]).wait()
        pltpu.async_copy(table_hbm.at[idx[b]], rows[b], sg[b])
        if j >= 1:
            pltpu.make_async_copy(table_hbm.at[idx[o]], rows[o], sg[o]).wait()
            pltpu.async_copy(rows[o], out_slice(j - 1), so[o])
        if j + 1 < NCHUNK:
            pltpu.async_copy(ids_slice(j + 1), idx[o], si[o])

    last = NCHUNK - 1
    lb = last % 2
    lo = (last + 1) % 2
    pltpu.make_async_copy(table_hbm.at[idx[lb]], rows[lb], sg[lb]).wait()
    pltpu.async_copy(rows[lb], out_slice(last), so[lb])
    pltpu.make_async_copy(rows[lo], out_slice(last - 1), so[lo]).wait()
    pltpu.make_async_copy(rows[lb], out_slice(last), so[lb]).wait()


def kernel(inputs, embeddings):
    ids = jnp.reshape(inputs, (B,)).astype(jnp.int32)
    out = _gather_kernel(ids, embeddings)
    return jnp.reshape(out, (BATCH, LENGTH, DIM))

# --- scband reference (transcript-rebuilt; emitter-appended) ---
"""Pipeline reference for scband-embedding-41145786696127 (READ-ONLY COPY).

The authoritative reference and input builder live on the scoring server;
editing this copy changes nothing except your own understanding.
"""

import jax, jax.numpy as jnp
import numpy as np

INPUT_DIM = 1000000
OUTPUT_DIM = 32
BATCH = 4096
INPUT_LENGTH = 200

def setup_inputs(seed: int = 0) -> dict:
    key = jax.random.key(seed)
    k1, k2 = jax.random.split(key)
    inputs = jax.random.randint(k1, (BATCH, INPUT_LENGTH), 0, INPUT_DIM, dtype=jnp.int64 if jax.config.jax_enable_x64 else jnp.int32)
    # embeddings initialized like keras 'uniform' initializer (uniform in [-0.05, 0.05])
    embeddings = jax.random.uniform(k2, (INPUT_DIM, OUTPUT_DIM), dtype=jnp.float32, minval=-0.05, maxval=0.05)
    return {"inputs": inputs, "embeddings": embeddings}

def reference(inputs, embeddings):
    # Faithful translation of call(): flatten ids, multi-slice (gather) from 2D params, reshape back.
    ids_shape = inputs.shape
    num_ids = int(np.prod(ids_shape))
    ids_flat = jnp.reshape(inputs, (num_ids,))
    params_shape = embeddings.shape
    slice_dim_size = params_shape[0]
    embedding_size = int(np.prod(params_shape[1:]))
    params_2d = jnp.reshape(embeddings, (slice_dim_size, embedding_size))
    result = jnp.take(params_2d, ids_flat, axis=0)
    return jnp.reshape(result, tuple(ids_shape) + tuple(params_shape[1:]))

if __name__ == "__main__":
    import jax
    _d = setup_inputs()
    print(jax.jit(kernel)(*tuple(_d.values())))

</pallas_src>

<mosaic_0001>
#map = affine_map<(d0, d1) -> (0)>
#map1 = affine_map<(d0, d1) -> (0, 0)>
module attributes {stable_mosaic.version = 14 : i64} {
  func.func @_gather_kernel(%arg0: i32, %arg1: i32, %arg2: memref<819200xi32, #tpu.memory_space<hbm>>, %arg3: memref<1000000x32xf32, #tpu.memory_space<hbm>>, %arg4: memref<819200x32xf32, #tpu.memory_space<hbm>>, %arg5: memref<1600xi32, #tpu.memory_space<vmem>>, %arg6: memref<1600xi32, #tpu.memory_space<vmem>>, %arg7: memref<1600x32xf32, #tpu.memory_space<vmem>>, %arg8: memref<1600x32xf32, #tpu.memory_space<vmem>>, %arg9: memref<!tpu.dma_semaphore, #tpu.memory_space<semaphore_mem>>, %arg10: memref<!tpu.dma_semaphore, #tpu.memory_space<semaphore_mem>>, %arg11: memref<!tpu.dma_semaphore, #tpu.memory_space<semaphore_mem>>, %arg12: memref<!tpu.dma_semaphore, #tpu.memory_space<semaphore_mem>>, %arg13: memref<!tpu.dma_semaphore, #tpu.memory_space<semaphore_mem>>, %arg14: memref<!tpu.dma_semaphore, #tpu.memory_space<semaphore_mem>>) attributes {dimension_semantics = [#tpu.dimension_semantics<core_parallel>, #tpu.dimension_semantics<subcore_parallel>], iteration_bounds = array<i64: 2, 16>, scalar_prefetch = 0 : i64, scratch_operands = 10 : i64, tpu.core_type = #tpu.core_type<sc_vector_subcore>, window_params = [{transform_indices = #map}, {transform_indices = #map1}, {transform_indices = #map1}]} {
    %mul3A = arith.constant 2 : i32
    %mul3A_0 = arith.muli %arg1, %mul3A : i32
    %add3A = arith.addi %mul3A_0, %arg0 : i32
    %mul3A_1 = arith.constant 25600 : i32
    %mul3A_2 = arith.muli %add3A, %mul3A_1 : i32
    %add3A_3 = arith.constant 0 : i32
    %add3A_4 = arith.addi %mul3A_2, %add3A_3 : i32
    %dma_start3A = tpu.memref_slice %arg2[%add3A_4] : memref<819200xi32, #tpu.memory_space<hbm>> -> memref<1600xi32, #tpu.memory_space<hbm>>
    %dma_start3A_5 = tpu.memref_slice %arg2[%add3A_4] : memref<819200xi32, #tpu.memory_space<hbm>> -> memref<1600xi32, #tpu.memory_space<hbm>>
    tpu.enqueue_dma source(%dma_start3A_5 : memref<1600xi32, #tpu.memory_space<hbm>>) target(%arg5 : memref<1600xi32, #tpu.memory_space<vmem>>) target_semaphore(%arg9 : memref<!tpu.dma_semaphore, #tpu.memory_space<semaphore_mem>>)
    %add3A_6 = arith.constant 0 : i32
    %add3A_7 = arith.addi %mul3A_2, %add3A_6 : i32
    %dma_wait3A = tpu.memref_slice %arg2[%add3A_7] : memref<819200xi32, #tpu.memory_space<hbm>> -> memref<1600xi32, #tpu.memory_space<hbm>>
    %dma_wait3A_8 = tpu.memref_slice %arg2[%add3A_7] : memref<819200xi32, #tpu.memory_space<hbm>> -> memref<1600xi32, #tpu.memory_space<hbm>>
    tpu.wait_dma2 semaphore(%arg9 : memref<!tpu.dma_semaphore, #tpu.memory_space<semaphore_mem>>) src(%dma_wait3A_8 : memref<1600xi32, #tpu.memory_space<hbm>>) dst(%arg5 : memref<1600xi32, #tpu.memory_space<vmem>>)
    %dma_start3A_9 = arith.constant 0 : i32
    %dma_start3A_10 = arith.constant 0 : i32
    %dma_start3A_11 = tpu.memref_slice %arg3[%dma_start3A_9, %dma_start3A_10] : memref<1000000x32xf32, #tpu.memory_space<hbm>> -> memref<1000000x32xf32, #tpu.memory_space<hbm>>
    tpu.enqueue_indirect_dma source(%dma_start3A_11 : memref<1000000x32xf32, #tpu.memory_space<hbm>>) target(%arg7 : memref<1600x32xf32, #tpu.memory_space<vmem>>) offsets(%arg5 : memref<1600xi32, #tpu.memory_space<vmem>>) semaphore(%arg11 : memref<!tpu.dma_semaphore, #tpu.memory_space<semaphore_mem>>)
    %add3A_12 = arith.constant 1600 : i32
    %add3A_13 = arith.addi %mul3A_2, %add3A_12 : i32
    %dma_start3A_14 = tpu.memref_slice %arg2[%add3A_13] : memref<819200xi32, #tpu.memory_space<hbm>> -> memref<1600xi32, #tpu.memory_space<hbm>>
    %dma_start3A_15 = tpu.memref_slice %arg2[%add3A_13] : memref<819200xi32, #tpu.memory_space<hbm>> -> memref<1600xi32, #tpu.memory_space<hbm>>
    tpu.enqueue_dma source(%dma_start3A_15 : memref<1600xi32, #tpu.memory_space<hbm>>) target(%arg6 : memref<1600xi32, #tpu.memory_space<vmem>>) target_semaphore(%arg10 : memref<!tpu.dma_semaphore, #tpu.memory_space<semaphore_mem>>)
    %add3A_16 = arith.constant 1600 : i32
    %add3A_17 = arith.addi %mul3A_2, %add3A_16 : i32
    %dma_wait3A_18 = tpu.memref_slice %arg2[%add3A_17] : memref<819200xi32, #tpu.memory_space<hbm>> -> memref<1600xi32, #tpu.memory_space<hbm>>
    %dma_wait3A_19 = tpu.memref_slice %arg2[%add3A_17] : memref<819200xi32, #tpu.memory_space<hbm>> -> memref<1600xi32, #tpu.memory_space<hbm>>
    tpu.wait_dma2 semaphore(%arg10 : memref<!tpu.dma_semaphore, #tpu.memory_space<semaphore_mem>>) src(%dma_wait3A_19 : memref<1600xi32, #tpu.memory_space<hbm>>) dst(%arg6 : memref<1600xi32, #tpu.memory_space<vmem>>)
    %dma_start3A_20 = arith.constant 0 : i32
    %dma_start3A_21 = arith.constant 0 : i32
    %dma_start3A_22 = tpu.memref_slice %arg3[%dma_start3A_20, %dma_start3A_21] : memref<1000000x32xf32, #tpu.memory_space<hbm>> -> memref<1000000x32xf32, #tpu.memory_space<hbm>>
    tpu.enqueue_indirect_dma source(%dma_start3A_22 : memref<1000000x32xf32, #tpu.memory_space<hbm>>) target(%arg8 : memref<1600x32xf32, #tpu.memory_space<vmem>>) offsets(%arg6 : memref<1600xi32, #tpu.memory_space<vmem>>) semaphore(%arg12 : memref<!tpu.dma_semaphore, #tpu.memory_space<semaphore_mem>>)
    %dma_wait3A_23 = arith.constant 0 : i32
    %dma_wait3A_24 = arith.constant 0 : i32
    %dma_wait3A_25 = tpu.memref_slice %arg3[%dma_wait3A_23, %dma_wait3A_24] : memref<1000000x32xf32, #tpu.memory_space<hbm>> -> memref<1000000x32xf32, #tpu.memory_space<hbm>>
    tpu.wait_indirect_dma semaphore(%arg11 : memref<!tpu.dma_semaphore, #tpu.memory_space<semaphore_mem>>) src(%dma_wait3A_25 : memref<1000000x32xf32, #tpu.memory_space<hbm>>) dst(%arg7 : memref<1600x32xf32, #tpu.memory_space<vmem>>)
    %add3A_26 = arith.constant 0 : i32
    %add3A_27 = arith.addi %mul3A_2, %add3A_26 : i32
    %dma_start3A_28 = arith.constant 0 : i32
    %dma_start3A_29 = tpu.memref_slice %arg4[%add3A_27, %dma_start3A_28] : memref<819200x32xf32, #tpu.memory_space<hbm>> -> memref<1600x32xf32, #tpu.memory_space<hbm>>
    %dma_start3A_30 = arith.constant 0 : i32
    %dma_start3A_31 = tpu.memref_slice %arg4[%add3A_27, %dma_start3A_30] : memref<819200x32xf32, #tpu.memory_space<hbm>> -> memref<1600x32xf32, #tpu.memory_space<hbm>>
    tpu.enqueue_dma source(%arg7 : memref<1600x32xf32, #tpu.memory_space<vmem>>) target(%dma_start3A_31 : memref<1600x32xf32, #tpu.memory_space<hbm>>) target_semaphore(%arg13 : memref<!tpu.dma_semaphore, #tpu.memory_space<semaphore_mem>>)
    %add3A_32 = arith.constant 3200 : i32
    %add3A_33 = arith.addi %mul3A_2, %add3A_32 : i32
    %dma_start3A_34 = tpu.memref_slice %arg2[%add3A_33] : memref<819200xi32, #tpu.memory_space<hbm>> -> memref<1600xi32, #tpu.memory_space<hbm>>
    %dma_start3A_35 = tpu.memref_slice %arg2[%add3A_33] : memref<819200xi32, #tpu.memory_space<hbm>> -> memref<1600xi32, #tpu.memory_space<hbm>>
    tpu.enqueue_dma source(%dma_start3A_35 : memref<1600xi32, #tpu.memory_space<hbm>>) target(%arg5 : memref<1600xi32, #tpu.memory_space<vmem>>) target_semaphore(%arg9 : memref<!tpu.dma_semaphore, #tpu.memory_space<semaphore_mem>>)
    %add3A_36 = arith.constant 3200 : i32
    %add3A_37 = arith.addi %mul3A_2, %add3A_36 : i32
    %dma_wait3A_38 = tpu.memref_slice %arg2[%add3A_37] : memref<819200xi32, #tpu.memory_space<hbm>> -> memref<1600xi32, #tpu.memory_space<hbm>>
    %dma_wait3A_39 = tpu.memref_slice %arg2[%add3A_37] : memref<819200xi32, #tpu.memory_space<hbm>> -> memref<1600xi32, #tpu.memory_space<hbm>>
    tpu.wait_dma2 semaphore(%arg9 : memref<!tpu.dma_semaphore, #tpu.memory_space<semaphore_mem>>) src(%dma_wait3A_39 : memref<1600xi32, #tpu.memory_space<hbm>>) dst(%arg5 : memref<1600xi32, #tpu.memory_space<vmem>>)
    %add3A_40 = arith.constant 0 : i32
    %add3A_41 = arith.addi %mul3A_2, %add3A_40 : i32
    %dma_wait3A_42 = arith.constant 0 : i32
    %dma_wait3A_43 = tpu.memref_slice %arg4[%add3A_41, %dma_wait3A_42] : memref<819200x32xf32, #tpu.memory_space<hbm>> -> memref<1600x32xf32, #tpu.memory_space<hbm>>
    %dma_wait3A_44 = arith.constant 0 : i32
    %dma_wait3A_45 = tpu.memref_slice %arg4[%add3A_41, %dma_wait3A_44] : memref<819200x32xf32, #tpu.memory_space<hbm>> -> memref<1600x32xf32, #tpu.memory_space<hbm>>
    tpu.wait_dma2 semaphore(%arg13 : memref<!tpu.dma_semaphore, #tpu.memory_space<semaphore_mem>>) src(%arg7 : memref<1600x32xf32, #tpu.memory_space<vmem>>) dst(%dma_wait3A_45 : memref<1600x32xf32, #tpu.memory_space<hbm>>)
    %dma_start3A_46 = arith.constant 0 : i32
    %dma_start3A_47 = arith.constant 0 : i32
    %dma_start3A_48 = tpu.memref_slice %arg3[%dma_start3A_46, %dma_start3A_47] : memref<1000000x32xf32, #tpu.memory_space<hbm>> -> memref<1000000x32xf32, #tpu.memory_space<hbm>>
    tpu.enqueue_indirect_dma source(%dma_start3A_48 : memref<1000000x32xf32, #tpu.memory_space<hbm>>) target(%arg7 : memref<1600x32xf32, #tpu.memory_space<vmem>>) offsets(%arg5 : memref<1600xi32, #tpu.memory_space<vmem>>) semaphore(%arg11 : memref<!tpu.dma_semaphore, #tpu.memory_space<semaphore_mem>>)
    %dma_wait3A_49 = arith.constant 0 : i32
    %dma_wait3A_50 = arith.constant 0 : i32
    %dma_wait3A_51 = tpu.memref_slice %arg3[%dma_wait3A_49, %dma_wait3A_50] : memref<1000000x32xf32, #tpu.memory_space<hbm>> -> memref<1000000x32xf32, #tpu.memory_space<hbm>>
    tpu.wait_indirect_dma semaphore(%arg12 : memref<!tpu.dma_semaphore, #tpu.memory_space<semaphore_mem>>) src(%dma_wait3A_51 : memref<1000000x32xf32, #tpu.memory_space<hbm>>) dst(%arg8 : memref<1600x32xf32, #tpu.memory_space<vmem>>)
    %add3A_52 = arith.constant 1600 : i32
    %add3A_53 = arith.addi %mul3A_2, %add3A_52 : i32
    %dma_start3A_54 = arith.constant 0 : i32
    %dma_start3A_55 = tpu.memref_slice %arg4[%add3A_53, %dma_start3A_54] : memref<819200x32xf32, #tpu.memory_space<hbm>> -> memref<1600x32xf32, #tpu.memory_space<hbm>>
    %dma_start3A_56 = arith.constant 0 : i32
    %dma_start3A_57 = tpu.memref_slice %arg4[%add3A_53, %dma_start3A_56] : memref<819200x32xf32, #tpu.memory_space<hbm>> -> memref<1600x32xf32, #tpu.memory_space<hbm>>
    tpu.enqueue_dma source(%arg8 : memref<1600x32xf32, #tpu.memory_space<vmem>>) target(%dma_start3A_57 : memref<1600x32xf32, #tpu.memory_space<hbm>>) target_semaphore(%arg14 : memref<!tpu.dma_semaphore, #tpu.memory_space<semaphore_mem>>)
    %add3A_58 = arith.constant 4800 : i32
    %add3A_59 = arith.addi %mul3A_2, %add3A_58 : i32
    %dma_start3A_60 = tpu.memref_slice %arg2[%add3A_59] : memref<819200xi32, #tpu.memory_space<hbm>> -> memref<1600xi32, #tpu.memory_space<hbm>>
    %dma_start3A_61 = tpu.memref_slice %arg2[%add3A_59] : memref<819200xi32, #tpu.memory_space<hbm>> -> memref<1600xi32, #tpu.memory_space<hbm>>
    tpu.enqueue_dma source(%dma_start3A_61 : memref<1600xi32, #tpu.memory_space<hbm>>) target(%arg6 : memref<1600xi32, #tpu.memory_space<vmem>>) target_semaphore(%arg10 : memref<!tpu.dma_semaphore, #tpu.memory_space<semaphore_mem>>)
    %add3A_62 = arith.constant 4800 : i32
    %add3A_63 = arith.addi %mul3A_2, %add3A_62 : i32
    %dma_wait3A_64 = tpu.memref_slice %arg2[%add3A_63] : memref<819200xi32, #tpu.memory_space<hbm>> -> memref<1600xi32, #tpu.memory_space<hbm>>
    %dma_wait3A_65 = tpu.memref_slice %arg2[%add3A_63] : memref<819200xi32, #tpu.memory_space<hbm>> -> memref<1600xi32, #tpu.memory_space<hbm>>
    tpu.wait_dma2 semaphore(%arg10 : memref<!tpu.dma_semaphore, #tpu.memory_space<semaphore_mem>>) src(%dma_wait3A_65 : memref<1600xi32, #tpu.memory_space<hbm>>) dst(%arg6 : memref<1600xi32, #tpu.memory_space<vmem>>)
    %add3A_66 = arith.constant 1600 : i32
    %add3A_67 = arith.addi %mul3A_2, %add3A_66 : i32
    %dma_wait3A_68 = arith.constant 0 : i32
    %dma_wait3A_69 = tpu.memref_slice %arg4[%add3A_67, %dma_wait3A_68] : memref<819200x32xf32, #tpu.memory_space<hbm>> -> memref<1600x32xf32, #tpu.memory_space<hbm>>
    %dma_wait3A_70 = arith.constant 0 : i32
    %dma_wait3A_71 = tpu.memref_slice %arg4[%add3A_67, %dma_wait3A_70] : memref<819200x32xf32, #tpu.memory_space<hbm>> -> memref<1600x32xf32, #tpu.memory_space<hbm>>
    tpu.wait_dma2 semaphore(%arg14 : memref<!tpu.dma_semaphore, #tpu.memory_space<semaphore_mem>>) src(%arg8 : memref<1600x32xf32, #tpu.memory_space<vmem>>) dst(%dma_wait3A_71 : memref<1600x32xf32, #tpu.memory_space<hbm>>)
    %dma_start3A_72 = arith.constant 0 : i32
    %dma_start3A_73 = arith.constant 0 : i32
    %dma_start3A_74 = tpu.memref_slice %arg3[%dma_start3A_72, %dma_start3A_73] : memref<1000000x32xf32, #tpu.memory_space<hbm>> -> memref<1000000x32xf32, #tpu.memory_space<hbm>>
    tpu.enqueue_indirect_dma source(%dma_start3A_74 : memref<1000000x32xf32, #tpu.memory_space<hbm>>) target(%arg8 : memref<1600x32xf32, #tpu.memory_space<vmem>>) offsets(%arg6 : memref<1600xi32, #tpu.memory_space<vmem>>) semaphore(%arg12 : memref<!tpu.dma_semaphore, #tpu.memory_space<semaphore_mem>>)
    %dma_wait3A_75 = arith.constant 0 : i32
    %dma_wait3A_76 = arith.constant 0 : i32
    %dma_wait3A_77 = tpu.memref_slice %arg3[%dma_wait3A_75, %dma_wait3A_76] : memref<1000000x32xf32, #tpu.memory_space<hbm>> -> memref<1000000x32xf32, #tpu.memory_space<hbm>>
    tpu.wait_indirect_dma semaphore(%arg11 : memref<!tpu.dma_semaphore, #tpu.memory_space<semaphore_mem>>) src(%dma_wait3A_77 : memref<1000000x32xf32, #tpu.memory_space<hbm>>) dst(%arg7 : memref<1600x32xf32, #tpu.memory_space<vmem>>)
    %add3A_78 = arith.constant 3200 : i32
    %add3A_79 = arith.addi %mul3A_2, %add3A_78 : i32
    %dma_start3A_80 = arith.constant 0 : i32
    %dma_start3A_81 = tpu.memref_slice %arg4[%add3A_79, %dma_start3A_80] : memref<819200x32xf32, #tpu.memory_space<hbm>> -> memref<1600x32xf32, #tpu.memory_space<hbm>>
    %dma_start3A_82 = arith.constant 0 : i32
    %dma_start3A_83 = tpu.memref_slice %arg4[%add3A_79, %dma_start3A_82] : memref<819200x32xf32, #tpu.memory_space<hbm>> -> memref<1600x32xf32, #tpu.memory_space<hbm>>
    tpu.enqueue_dma source(%arg7 : memref<1600x32xf32, #tpu.memory_space<vmem>>) target(%dma_start3A_83 : memref<1600x32xf32, #tpu.memory_space<hbm>>) target_semaphore(%arg13 : memref<!tpu.dma_semaphore, #tpu.memory_space<semaphore_mem>>)
    %add3A_84 = arith.constant 6400 : i32
    %add3A_85 = arith.addi %mul3A_2, %add3A_84 : i32
    %dma_start3A_86 = tpu.memref_slice %arg2[%add3A_85] : memref<819200xi32, #tpu.memory_space<hbm>> -> memref<1600xi32, #tpu.memory_space<hbm>>
    %dma_start3A_87 = tpu.memref_slice %arg2[%add3A_85] : memref<819200xi32, #tpu.memory_space<hbm>> -> memref<1600xi32, #tpu.memory_space<hbm>>
    tpu.enqueue_dma source(%dma_start3A_87 : memref<1600xi32, #tpu.memory_space<hbm>>) target(%arg5 : memref<1600xi32, #tpu.memory_space<vmem>>) target_semaphore(%arg9 : memref<!tpu.dma_semaphore, #tpu.memory_space<semaphore_mem>>)
    %add3A_88 = arith.constant 6400 : i32
    %add3A_89 = arith.addi %mul3A_2, %add3A_88 : i32
    %dma_wait3A_90 = tpu.memref_slice %arg2[%add3A_89] : memref<819200xi32, #tpu.memory_space<hbm>> -> memref<1600xi32, #tpu.memory_space<hbm>>
    %dma_wait3A_91 = tpu.memref_slice %arg2[%add3A_89] : memref<819200xi32, #tpu.memory_space<hbm>> -> memref<1600xi32, #tpu.memory_space<hbm>>
    tpu.wait_dma2 semaphore(%arg9 : memref<!tpu.dma_semaphore, #tpu.memory_space<semaphore_mem>>) src(%dma_wait3A_91 : memref<1600xi32, #tpu.memory_space<hbm>>) dst(%arg5 : memref<1600xi32, #tpu.memory_space<vmem>>)
    %add3A_92 = arith.constant 3200 : i32
    %add3A_93 = arith.addi %mul3A_2, %add3A_92 : i32
    %dma_wait3A_94 = arith.constant 0 : i32
    %dma_wait3A_95 = tpu.memref_slice %arg4[%add3A_93, %dma_wait3A_94] : memref<819200x32xf32, #tpu.memory_space<hbm>> -> memref<1600x32xf32, #tpu.memory_space<hbm>>
    %dma_wait3A_96 = arith.constant 0 : i32
    %dma_wait3A_97 = tpu.memref_slice %arg4[%add3A_93, %dma_wait3A_96] : memref<819200x32xf32, #tpu.memory_space<hbm>> -> memref<1600x32xf32, #tpu.memory_space<hbm>>
    tpu.wait_dma2 semaphore(%arg13 : memref<!tpu.dma_semaphore, #tpu.memory_space<semaphore_mem>>) src(%arg7 : memref<1600x32xf32, #tpu.memory_space<vmem>>) dst(%dma_wait3A_97 : memref<1600x32xf32, #tpu.memory_space<hbm>>)
    %dma_start3A_98 = arith.constant 0 : i32
    %dma_start3A_99 = arith.constant 0 : i32
    %dma_start3A_100 = tpu.memref_slice %arg3[%dma_start3A_98, %dma_start3A_99] : memref<1000000x32xf32, #tpu.memory_space<hbm>> -> memref<1000000x32xf32, #tpu.memory_space<hbm>>
    tpu.enqueue_indirect_dma source(%dma_start3A_100 : memref<1000000x32xf32, #tpu.memory_space<hbm>>) target(%arg7 : memref<1600x32xf32, #tpu.memory_space<vmem>>) offsets(%arg5 : memref<1600xi32, #tpu.memory_space<vmem>>) semaphore(%arg11 : memref<!tpu.dma_semaphore, #tpu.memory_space<semaphore_mem>>)
    %dma_wait3A_101 = arith.constant 0 : i32
    %dma_wait3A_102 = arith.constant 0 : i32
    %dma_wait3A_103 = tpu.memref_slice %arg3[%dma_wait3A_101, %dma_wait3A_102] : memref<1000000x32xf32, #tpu.memory_space<hbm>> -> memref<1000000x32xf32, #tpu.memory_space<hbm>>
    tpu.wait_indirect_dma semaphore(%arg12 : memref<!tpu.dma_semaphore, #tpu.memory_space<semaphore_mem>>) src(%dma_wait3A_103 : memref<1000000x32xf32, #tpu.memory_space<hbm>>) dst(%arg8 : memref<1600x32xf32, #tpu.memory_space<vmem>>)
    %add3A_104 = arith.constant 4800 : i32
    %add3A_105 = arith.addi %mul3A_2, %add3A_104 : i32
    %dma_start3A_106 = arith.constant 0 : i32
    %dma_start3A_107 = tpu.memref_slice %arg4[%add3A_105, %dma_start3A_106] : memref<819200x32xf32, #tpu.memory_space<hbm>> -> memref<1600x32xf32, #tpu.memory_space<hbm>>
    %dma_start3A_108 = arith.constant 0 : i32
    %dma_start3A_109 = tpu.memref_slice %arg4[%add3A_105, %dma_start3A_108] : memref<819200x32xf32, #tpu.memory_space<hbm>> -> memref<1600x32xf32, #tpu.memory_space<hbm>>
    tpu.enqueue_dma source(%arg8 : memref<1600x32xf32, #tpu.memory_space<vmem>>) target(%dma_start3A_109 : memref<1600x32xf32, #tpu.memory_space<hbm>>) target_semaphore(%arg14 : memref<!tpu.dma_semaphore, #tpu.memory_space<semaphore_mem>>)
    %add3A_110 = arith.constant 8000 : i32
    %add3A_111 = arith.addi %mul3A_2, %add3A_110 : i32
    %dma_start3A_112 = tpu.memref_slice %arg2[%add3A_111] : memref<819200xi32, #tpu.memory_space<hbm>> -> memref<1600xi32, #tpu.memory_space<hbm>>
    %dma_start3A_113 = tpu.memref_slice %arg2[%add3A_111] : memref<819200xi32, #tpu.memory_space<hbm>> -> memref<1600xi32, #tpu.memory_space<hbm>>
    tpu.enqueue_dma source(%dma_start3A_113 : memref<1600xi32, #tpu.memory_space<hbm>>) target(%arg6 : memref<1600xi32, #tpu.memory_space<vmem>>) target_semaphore(%arg10 : memref<!tpu.dma_semaphore, #tpu.memory_space<semaphore_mem>>)
    %add3A_114 = arith.constant 8000 : i32
    %add3A_115 = arith.addi %mul3A_2, %add3A_114 : i32
    %dma_wait3A_116 = tpu.memref_slice %arg2[%add3A_115] : memref<819200xi32, #tpu.memory_space<hbm>> -> memref<1600xi32, #tpu.memory_space<hbm>>
    %dma_wait3A_117 = tpu.memref_slice %arg2[%add3A_115] : memref<819200xi32, #tpu.memory_space<hbm>> -> memref<1600xi32, #tpu.memory_space<hbm>>
    tpu.wait_dma2 semaphore(%arg10 : memref<!tpu.dma_semaphore, #tpu.memory_space<semaphore_mem>>) src(%dma_wait3A_117 : memref<1600xi32, #tpu.memory_space<hbm>>) dst(%arg6 : memref<1600xi32, #tpu.memory_space<vmem>>)
    %add3A_118 = arith.constant 4800 : i32
    %add3A_119 = arith.addi %mul3A_2, %add3A_118 : i32
    %dma_wait3A_120 = arith.constant 0 : i32
    %dma_wait3A_121 = tpu.memref_slice %arg4[%add3A_119, %dma_wait3A_120] : memref<819200x32xf32, #tpu.memory_space<hbm>> -> memref<1600x32xf32, #tpu.memory_space<hbm>>
    %dma_wait3A_122 = arith.constant 0 : i32
    %dma_wait3A_123 = tpu.memref_slice %arg4[%add3A_119, %dma_wait3A_122] : memref<819200x32xf32, #tpu.memory_space<hbm>> -> memref<1600x32xf32, #tpu.memory_space<hbm>>
    tpu.wait_dma2 semaphore(%arg14 : memref<!tpu.dma_semaphore, #tpu.memory_space<semaphore_mem>>) src(%arg8 : memref<1600x32xf32, #tpu.memory_space<vmem>>) dst(%dma_wait3A_123 : memref<1600x32xf32, #tpu.memory_space<hbm>>)
    %dma_start3A_124 = arith.constant 0 : i32
    %dma_start3A_125 = arith.constant 0 : i32
    %dma_start3A_126 = tpu.memref_slice %arg3[%dma_start3A_124, %dma_start3A_125] : memref<1000000x32xf32, #tpu.memory_space<hbm>> -> memref<1000000x32xf32, #tpu.memory_space<hbm>>
    tpu.enqueue_indirect_dma source(%dma_start3A_126 : memref<1000000x32xf32, #tpu.memory_space<hbm>>) target(%arg8 : memref<1600x32xf32, #tpu.memory_space<vmem>>) offsets(%arg6 : memref<1600xi32, #tpu.memory_space<vmem>>) semaphore(%arg12 : memref<!tpu.dma_semaphore, #tpu.memory_space<semaphore_mem>>)
    %dma_wait3A_127 = arith.constant 0 : i32
    %dma_wait3A_128 = arith.constant 0 : i32
    %dma_wait3A_129 = tpu.memref_slice %arg3[%dma_wait3A_127, %dma_wait3A_128] : memref<1000000x32xf32, #tpu.memory_space<hbm>> -> memref<1000000x32xf32, #tpu.memory_space<hbm>>
    tpu.wait_indirect_dma semaphore(%arg11 : memref<!tpu.dma_semaphore, #tpu.memory_space<semaphore_mem>>) src(%dma_wait3A_129 : memref<1000000x32xf32, #tpu.memory_space<hbm>>) dst(%arg7 : memref<1600x32xf32, #tpu.memory_space<vmem>>)
    %add3A_130 = arith.constant 6400 : i32
    %add3A_131 = arith.addi %mul3A_2, %add3A_130 : i32
    %dma_start3A_132 = arith.constant 0 : i32
    %dma_start3A_133 = tpu.memref_slice %arg4[%add3A_131, %dma_start3A_132] : memref<819200x32xf32, #tpu.memory_space<hbm>> -> memref<1600x32xf32, #tpu.memory_space<hbm>>
    %dma_start3A_134 = arith.constant 0 : i32
    %dma_start3A_135 = tpu.memref_slice %arg4[%add3A_131, %dma_start3A_134] : memref<819200x32xf32, #tpu.memory_space<hbm>> -> memref<1600x32xf32, #tpu.memory_space<hbm>>
    tpu.enqueue_dma source(%arg7 : memref<1600x32xf32, #tpu.memory_space<vmem>>) target(%dma_start3A_135 : memref<1600x32xf32, #tpu.memory_space<hbm>>) target_semaphore(%arg13 : memref<!tpu.dma_semaphore, #tpu.memory_space<semaphore_mem>>)
    %add3A_136 = arith.constant 9600 : i32
    %add3A_137 = arith.addi %mul3A_2, %add3A_136 : i32
    %dma_start3A_138 = tpu.memref_slice %arg2[%add3A_137] : memref<819200xi32, #tpu.memory_space<hbm>> -> memref<1600xi32, #tpu.memory_space<hbm>>
    %dma_start3A_139 = tpu.memref_slice %arg2[%add3A_137] : memref<819200xi32, #tpu.memory_space<hbm>> -> memref<1600xi32, #tpu.memory_space<hbm>>
    tpu.enqueue_dma source(%dma_start3A_139 : memref<1600xi32, #tpu.memory_space<hbm>>) target(%arg5 : memref<1600xi32, #tpu.memory_space<vmem>>) target_semaphore(%arg9 : memref<!tpu.dma_semaphore, #tpu.memory_space<semaphore_mem>>)
    %add3A_140 = arith.constant 9600 : i32
    %add3A_141 = arith.addi %mul3A_2, %add3A_140 : i32
    %dma_wait3A_142 = tpu.memref_slice %arg2[%add3A_141] : memref<819200xi32, #tpu.memory_space<hbm>> -> memref<1600xi32, #tpu.memory_space<hbm>>
    %dma_wait3A_143 = tpu.memref_slice %arg2[%add3A_141] : memref<819200xi32, #tpu.memory_space<hbm>> -> memref<1600xi32, #tpu.memory_space<hbm>>
    tpu.wait_dma2 semaphore(%arg9 : memref<!tpu.dma_semaphore, #tpu.memory_space<semaphore_mem>>) src(%dma_wait3A_143 : memref<1600xi32, #tpu.memory_space<hbm>>) dst(%arg5 : memref<1600xi32, #tpu.memory_space<vmem>>)
    %add3A_144 = arith.constant 6400 : i32
    %add3A_145 = arith.addi %mul3A_2, %add3A_144 : i32
    %dma_wait3A_146 = arith.constant 0 : i32
    %dma_wait3A_147 = tpu.memref_slice %arg4[%add3A_145, %dma_wait3A_146] : memref<819200x32xf32, #tpu.memory_space<hbm>> -> memref<1600x32xf32, #tpu.memory_space<hbm>>
    %dma_wait3A_148 = arith.constant 0 : i32
    %dma_wait3A_149 = tpu.memref_slice %arg4[%add3A_145, %dma_wait3A_148] : memref<819200x32xf32, #tpu.memory_space<hbm>> -> memref<1600x32xf32, #tpu.memory_space<hbm>>
    tpu.wait_dma2 semaphore(%arg13 : memref<!tpu.dma_semaphore, #tpu.memory_space<semaphore_mem>>) src(%arg7 : memref<1600x32xf32, #tpu.memory_space<vmem>>) dst(%dma_wait3A_149 : memref<1600x32xf32, #tpu.memory_space<hbm>>)
    %dma_start3A_150 = arith.constant 0 : i32
    %dma_start3A_151 = arith.constant 0 : i32
    %dma_start3A_152 = tpu.memref_slice %arg3[%dma_start3A_150, %dma_start3A_151] : memref<1000000x32xf32, #tpu.memory_space<hbm>> -> memref<1000000x32xf32, #tpu.memory_space<hbm>>
    tpu.enqueue_indirect_dma source(%dma_start3A_152 : memref<1000000x32xf32, #tpu.memory_space<hbm>>) target(%arg7 : memref<1600x32xf32, #tpu.memory_space<vmem>>) offsets(%arg5 : memref<1600xi32, #tpu.memory_space<vmem>>) semaphore(%arg11 : memref<!tpu.dma_semaphore, #tpu.memory_space<semaphore_mem>>)
    %dma_wait3A_153 = arith.constant 0 : i32
    %dma_wait3A_154 = arith.constant 0 : i32
    %dma_wait3A_155 = tpu.memref_slice %arg3[%dma_wait3A_153, %dma_wait3A_154] : memref<1000000x32xf32, #tpu.memory_space<hbm>> -> memref<1000000x32xf32, #tpu.memory_space<hbm>>
    tpu.wait_indirect_dma semaphore(%arg12 : memref<!tpu.dma_semaphore, #tpu.memory_space<semaphore_mem>>) src(%dma_wait3A_155 : memref<1000000x32xf32, #tpu.memory_space<hbm>>) dst(%arg8 : memref<1600x32xf32, #tpu.memory_space<vmem>>)
    %add3A_156 = arith.constant 8000 : i32
    %add3A_157 = arith.addi %mul3A_2, %add3A_156 : i32
    %dma_start3A_158 = arith.constant 0 : i32
    %dma_start3A_159 = tpu.memref_slice %arg4[%add3A_157, %dma_start3A_158] : memref<819200x32xf32, #tpu.memory_space<hbm>> -> memref<1600x32xf32, #tpu.memory_space<hbm>>
    %dma_start3A_160 = arith.constant 0 : i32
    %dma_start3A_161 = tpu.memref_slice %arg4[%add3A_157, %dma_start3A_160] : memref<819200x32xf32, #tpu.memory_space<hbm>> -> memref<1600x32xf32, #tpu.memory_space<hbm>>
    tpu.enqueue_dma source(%arg8 : memref<1600x32xf32, #tpu.memory_space<vmem>>) target(%dma_start3A_161 : memref<1600x32xf32, #tpu.memory_space<hbm>>) target_semaphore(%arg14 : memref<!tpu.dma_semaphore, #tpu.memory_space<semaphore_mem>>)
    %add3A_162 = arith.constant 11200 : i32
    %add3A_163 = arith.addi %mul3A_2, %add3A_162 : i32
    %dma_start3A_164 = tpu.memref_slice %arg2[%add3A_163] : memref<819200xi32, #tpu.memory_space<hbm>> -> memref<1600xi32, #tpu.memory_space<hbm>>
    %dma_start3A_165 = tpu.memref_slice %arg2[%add3A_163] : memref<819200xi32, #tpu.memory_space<hbm>> -> memref<1600xi32, #tpu.memory_space<hbm>>
    tpu.enqueue_dma source(%dma_start3A_165 : memref<1600xi32, #tpu.memory_space<hbm>>) target(%arg6 : memref<1600xi32, #tpu.memory_space<vmem>>) target_semaphore(%arg10 : memref<!tpu.dma_semaphore, #tpu.memory_space<semaphore_mem>>)
    %add3A_166 = arith.constant 11200 : i32
    %add3A_167 = arith.addi %mul3A_2, %add3A_166 : i32
    %dma_wait3A_168 = tpu.memref_slice %arg2[%add3A_167] : memref<819200xi32, #tpu.memory_space<hbm>> -> memref<1600xi32, #tpu.memory_space<hbm>>
    %dma_wait3A_169 = tpu.memref_slice %arg2[%add3A_167] : memref<819200xi32, #tpu.memory_space<hbm>> -> memref<1600xi32, #tpu.memory_space<hbm>>
    tpu.wait_dma2 semaphore(%arg10 : memref<!tpu.dma_semaphore, #tpu.memory_space<semaphore_mem>>) src(%dma_wait3A_169 : memref<1600xi32, #tpu.memory_space<hbm>>) dst(%arg6 : memref<1600xi32, #tpu.memory_space<vmem>>)
    %add3A_170 = arith.constant 8000 : i32
    %add3A_171 = arith.addi %mul3A_2, %add3A_170 : i32
    %dma_wait3A_172 = arith.constant 0 : i32
    %dma_wait3A_173 = tpu.memref_slice %arg4[%add3A_171, %dma_wait3A_172] : memref<819200x32xf32, #tpu.memory_space<hbm>> -> memref<1600x32xf32, #tpu.memory_space<hbm>>
    %dma_wait3A_174 = arith.constant 0 : i32
    %dma_wait3A_175 = tpu.memref_slice %arg4[%add3A_171, %dma_wait3A_174] : memref<819200x32xf32, #tpu.memory_space<hbm>> -> memref<1600x32xf32, #tpu.memory_space<hbm>>
    tpu.wait_dma2 semaphore(%arg14 : memref<!tpu.dma_semaphore, #tpu.memory_space<semaphore_mem>>) src(%arg8 : memref<1600x32xf32, #tpu.memory_space<vmem>>) dst(%dma_wait3A_175 : memref<1600x32xf32, #tpu.memory_space<hbm>>)
    %dma_start3A_176 = arith.constant 0 : i32
    %dma_start3A_177 = arith.constant 0 : i32
    %dma_start3A_178 = tpu.memref_slice %arg3[%dma_start3A_176, %dma_start3A_177] : memref<1000000x32xf32, #tpu.memory_space<hbm>> -> memref<1000000x32xf32, #tpu.memory_space<hbm>>
    tpu.enqueue_indirect_dma source(%dma_start3A_178 : memref<1000000x32xf32, #tpu.memory_space<hbm>>) target(%arg8 : memref<1600x32xf32, #tpu.memory_space<vmem>>) offsets(%arg6 : memref<1600xi32, #tpu.memory_space<vmem>>) semaphore(%arg12 : memref<!tpu.dma_semaphore, #tpu.memory_space<semaphore_mem>>)
    %dma_wait3A_179 = arith.constant 0 : i32
    %dma_wait3A_180 = arith.constant 0 : i32
    %dma_wait3A_181 = tpu.memref_slice %arg3[%dma_wait3A_179, %dma_wait3A_180] : memref<1000000x32xf32, #tpu.memory_space<hbm>> -> memref<1000000x32xf32, #tpu.memory_space<hbm>>
    tpu.wait_indirect_dma semaphore(%arg11 : memref<!tpu.dma_semaphore, #tpu.memory_space<semaphore_mem>>) src(%dma_wait3A_181 : memref<1000000x32xf32, #tpu.memory_space<hbm>>) dst(%arg7 : memref<1600x32xf32, #tpu.memory_space<vmem>>)
    %add3A_182 = arith.constant 9600 : i32
    %add3A_183 = arith.addi %mul3A_2, %add3A_182 : i32
    %dma_start3A_184 = arith.constant 0 : i32
    %dma_start3A_185 = tpu.memref_slice %arg4[%add3A_183, %dma_start3A_184] : memref<819200x32xf32, #tpu.memory_space<hbm>> -> memref<1600x32xf32, #tpu.memory_space<hbm>>
    %dma_start3A_186 = arith.constant 0 : i32
    %dma_start3A_187 = tpu.memref_slice %arg4[%add3A_183, %dma_start3A_186] : memref<819200x32xf32, #tpu.memory_space<hbm>> -> memref<1600x32xf32, #tpu.memory_space<hbm>>
    tpu.enqueue_dma source(%arg7 : memref<1600x32xf32, #tpu.memory_space<vmem>>) target(%dma_start3A_187 : memref<1600x32xf32, #tpu.memory_space<hbm>>) target_semaphore(%arg13 : memref<!tpu.dma_semaphore, #tpu.memory_space<semaphore_mem>>)
    %add3A_188 = arith.constant 12800 : i32
    %add3A_189 = arith.addi %mul3A_2, %add3A_188 : i32
    %dma_start3A_190 = tpu.memref_slice %arg2[%add3A_189] : memref<819200xi32, #tpu.memory_space<hbm>> -> memref<1600xi32, #tpu.memory_space<hbm>>
    %dma_start3A_191 = tpu.memref_slice %arg2[%add3A_189] : memref<819200xi32, #tpu.memory_space<hbm>> -> memref<1600xi32, #tpu.memory_space<hbm>>
    tpu.enqueue_dma source(%dma_start3A_191 : memref<1600xi32, #tpu.memory_space<hbm>>) target(%arg5 : memref<1600xi32, #tpu.memory_space<vmem>>) target_semaphore(%arg9 : memref<!tpu.dma_semaphore, #tpu.memory_space<semaphore_mem>>)
    %add3A_192 = arith.constant 12800 : i32
    %add3A_193 = arith.addi %mul3A_2, %add3A_192 : i32
    %dma_wait3A_194 = tpu.memref_slice %arg2[%add3A_193] : memref<819200xi32, #tpu.memory_space<hbm>> -> memref<1600xi32, #tpu.memory_space<hbm>>
    %dma_wait3A_195 = tpu.memref_slice %arg2[%add3A_193] : memref<819200xi32, #tpu.memory_space<hbm>> -> memref<1600xi32, #tpu.memory_space<hbm>>
    tpu.wait_dma2 semaphore(%arg9 : memref<!tpu.dma_semaphore, #tpu.memory_space<semaphore_mem>>) src(%dma_wait3A_195 : memref<1600xi32, #tpu.memory_space<hbm>>) dst(%arg5 : memref<1600xi32, #tpu.memory_space<vmem>>)
    %add3A_196 = arith.constant 9600 : i32
    %add3A_197 = arith.addi %mul3A_2, %add3A_196 : i32
    %dma_wait3A_198 = arith.constant 0 : i32
    %dma_wait3A_199 = tpu.memref_slice %arg4[%add3A_197, %dma_wait3A_198] : memref<819200x32xf32, #tpu.memory_space<hbm>> -> memref<1600x32xf32, #tpu.memory_space<hbm>>
    %dma_wait3A_200 = arith.constant 0 : i32
    %dma_wait3A_201 = tpu.memref_slice %arg4[%add3A_197, %dma_wait3A_200] : memref<819200x32xf32, #tpu.memory_space<hbm>> -> memref<1600x32xf32, #tpu.memory_space<hbm>>
    tpu.wait_dma2 semaphore(%arg13 : memref<!tpu.dma_semaphore, #tpu.memory_space<semaphore_mem>>) src(%arg7 : memref<1600x32xf32, #tpu.memory_space<vmem>>) dst(%dma_wait3A_201 : memref<1600x32xf32, #tpu.memory_space<hbm>>)
    %dma_start3A_202 = arith.constant 0 : i32
    %dma_start3A_203 = arith.constant 0 : i32
    %dma_start3A_204 = tpu.memref_slice %arg3[%dma_start3A_202, %dma_start3A_203] : memref<1000000x32xf32, #tpu.memory_space<hbm>> -> memref<1000000x32xf32, #tpu.memory_space<hbm>>
    tpu.enqueue_indirect_dma source(%dma_start3A_204 : memref<1000000x32xf32, #tpu.memory_space<hbm>>) target(%arg7 : memref<1600x32xf32, #tpu.memory_space<vmem>>) offsets(%arg5 : memref<1600xi32, #tpu.memory_space<vmem>>) semaphore(%arg11 : memref<!tpu.dma_semaphore, #tpu.memory_space<semaphore_mem>>)
    %dma_wait3A_205 = arith.constant 0 : i32
    %dma_wait3A_206 = arith.constant 0 : i32
    %dma_wait3A_207 = tpu.memref_slice %arg3[%dma_wait3A_205, %dma_wait3A_206] : memref<1000000x32xf32, #tpu.memory_space<hbm>> -> memref<1000000x32xf32, #tpu.memory_space<hbm>>
    tpu.wait_indirect_dma semaphore(%arg12 : memref<!tpu.dma_semaphore, #tpu.memory_space<semaphore_mem>>) src(%dma_wait3A_207 : memref<1000000x32xf32, #tpu.memory_space<hbm>>) dst(%arg8 : memref<1600x32xf32, #tpu.memory_space<vmem>>)
    %add3A_208 = arith.constant 11200 : i32
    %add3A_209 = arith.addi %mul3A_2, %add3A_208 : i32
    %dma_start3A_210 = arith.constant 0 : i32
    %dma_start3A_211 = tpu.memref_slice %arg4[%add3A_209, %dma_start3A_210] : memref<819200x32xf32, #tpu.memory_space<hbm>> -> memref<1600x32xf32, #tpu.memory_space<hbm>>
    %dma_start3A_212 = arith.constant 0 : i32
    %dma_start3A_213 = tpu.memref_slice %arg4[%add3A_209, %dma_start3A_212] : memref<819200x32xf32, #tpu.memory_space<hbm>> -> memref<1600x32xf32, #tpu.memory_space<hbm>>
    tpu.enqueue_dma source(%arg8 : memref<1600x32xf32, #tpu.memory_space<vmem>>) target(%dma_start3A_213 : memref<1600x32xf32, #tpu.memory_space<hbm>>) target_semaphore(%arg14 : memref<!tpu.dma_semaphore, #tpu.memory_space<semaphore_mem>>)
    %add3A_214 = arith.constant 14400 : i32
    %add3A_215 = arith.addi %mul3A_2, %add3A_214 : i32
    %dma_start3A_216 = tpu.memref_slice %arg2[%add3A_215] : memref<819200xi32, #tpu.memory_space<hbm>> -> memref<1600xi32, #tpu.memory_space<hbm>>
    %dma_start3A_217 = tpu.memref_slice %arg2[%add3A_215] : memref<819200xi32, #tpu.memory_space<hbm>> -> memref<1600xi32, #tpu.memory_space<hbm>>
    tpu.enqueue_dma source(%dma_start3A_217 : memref<1600xi32, #tpu.memory_space<hbm>>) target(%arg6 : memref<1600xi32, #tpu.memory_space<vmem>>) target_semaphore(%arg10 : memref<!tpu.dma_semaphore, #tpu.memory_space<semaphore_mem>>)
    %add3A_218 = arith.constant 14400 : i32
    %add3A_219 = arith.addi %mul3A_2, %add3A_218 : i32
    %dma_wait3A_220 = tpu.memref_slice %arg2[%add3A_219] : memref<819200xi32, #tpu.memory_space<hbm>> -> memref<1600xi32, #tpu.memory_space<hbm>>
    %dma_wait3A_221 = tpu.memref_slice %arg2[%add3A_219] : memref<819200xi32, #tpu.memory_space<hbm>> -> memref<1600xi32, #tpu.memory_space<hbm>>
    tpu.wait_dma2 semaphore(%arg10 : memref<!tpu.dma_semaphore, #tpu.memory_space<semaphore_mem>>) src(%dma_wait3A_221 : memref<1600xi32, #tpu.memory_space<hbm>>) dst(%arg6 : memref<1600xi32, #tpu.memory_space<vmem>>)
    %add3A_222 = arith.constant 11200 : i32
    %add3A_223 = arith.addi %mul3A_2, %add3A_222 : i32
    %dma_wait3A_224 = arith.constant 0 : i32
    %dma_wait3A_225 = tpu.memref_slice %arg4[%add3A_223, %dma_wait3A_224] : memref<819200x32xf32, #tpu.memory_space<hbm>> -> memref<1600x32xf32, #tpu.memory_space<hbm>>
    %dma_wait3A_226 = arith.constant 0 : i32
    %dma_wait3A_227 = tpu.memref_slice %arg4[%add3A_223, %dma_wait3A_226] : memref<819200x32xf32, #tpu.memory_space<hbm>> -> memref<1600x32xf32, #tpu.memory_space<hbm>>
    tpu.wait_dma2 semaphore(%arg14 : memref<!tpu.dma_semaphore, #tpu.memory_space<semaphore_mem>>) src(%arg8 : memref<1600x32xf32, #tpu.memory_space<vmem>>) dst(%dma_wait3A_227 : memref<1600x32xf32, #tpu.memory_space<hbm>>)
    %dma_start3A_228 = arith.constant 0 : i32
    %dma_start3A_229 = arith.constant 0 : i32
    %dma_start3A_230 = tpu.memref_slice %arg3[%dma_start3A_228, %dma_start3A_229] : memref<1000000x32xf32, #tpu.memory_space<hbm>> -> memref<1000000x32xf32, #tpu.memory_space<hbm>>
    tpu.enqueue_indirect_dma source(%dma_start3A_230 : memref<1000000x32xf32, #tpu.memory_space<hbm>>) target(%arg8 : memref<1600x32xf32, #tpu.memory_space<vmem>>) offsets(%arg6 : memref<1600xi32, #tpu.memory_space<vmem>>) semaphore(%arg12 : memref<!tpu.dma_semaphore, #tpu.memory_space<semaphore_mem>>)
    %dma_wait3A_231 = arith.constant 0 : i32
    %dma_wait3A_232 = arith.constant 0 : i32
    %dma_wait3A_233 = tpu.memref_slice %arg3[%dma_wait3A_231, %dma_wait3A_232] : memref<1000000x32xf32, #tpu.memory_space<hbm>> -> memref<1000000x32xf32, #tpu.memory_space<hbm>>
    tpu.wait_indirect_dma semaphore(%arg11 : memref<!tpu.dma_semaphore, #tpu.memory_space<semaphore_mem>>) src(%dma_wait3A_233 : memref<1000000x32xf32, #tpu.memory_space<hbm>>) dst(%arg7 : memref<1600x32xf32, #tpu.memory_space<vmem>>)
    %add3A_234 = arith.constant 12800 : i32
    %add3A_235 = arith.addi %mul3A_2, %add3A_234 : i32
    %dma_start3A_236 = arith.constant 0 : i32
    %dma_start3A_237 = tpu.memref_slice %arg4[%add3A_235, %dma_start3A_236] : memref<819200x32xf32, #tpu.memory_space<hbm>> -> memref<1600x32xf32, #tpu.memory_space<hbm>>
    %dma_start3A_238 = arith.constant 0 : i32
    %dma_start3A_239 = tpu.memref_slice %arg4[%add3A_235, %dma_start3A_238] : memref<819200x32xf32, #tpu.memory_space<hbm>> -> memref<1600x32xf32, #tpu.memory_space<hbm>>
    tpu.enqueue_dma source(%arg7 : memref<1600x32xf32, #tpu.memory_space<vmem>>) target(%dma_start3A_239 : memref<1600x32xf32, #tpu.memory_space<hbm>>) target_semaphore(%arg13 : memref<!tpu.dma_semaphore, #tpu.memory_space<semaphore_mem>>)
    %add3A_240 = arith.constant 16000 : i32
    %add3A_241 = arith.addi %mul3A_2, %add3A_240 : i32
    %dma_start3A_242 = tpu.memref_slice %arg2[%add3A_241] : memref<819200xi32, #tpu.memory_space<hbm>> -> memref<1600xi32, #tpu.memory_space<hbm>>
    %dma_start3A_243 = tpu.memref_slice %arg2[%add3A_241] : memref<819200xi32, #tpu.memory_space<hbm>> -> memref<1600xi32, #tpu.memory_space<hbm>>
    tpu.enqueue_dma source(%dma_start3A_243 : memref<1600xi32, #tpu.memory_space<hbm>>) target(%arg5 : memref<1600xi32, #tpu.memory_space<vmem>>) target_semaphore(%arg9 : memref<!tpu.dma_semaphore, #tpu.memory_space<semaphore_mem>>)
    %add3A_244 = arith.constant 16000 : i32
    %add3A_245 = arith.addi %mul3A_2, %add3A_244 : i32
    %dma_wait3A_246 = tpu.memref_slice %arg2[%add3A_245] : memref<819200xi32, #tpu.memory_space<hbm>> -> memref<1600xi32, #tpu.memory_space<hbm>>
    %dma_wait3A_247 = tpu.memref_slice %arg2[%add3A_245] : memref<819200xi32, #tpu.memory_space<hbm>> -> memref<1600xi32, #tpu.memory_space<hbm>>
    tpu.wait_dma2 semaphore(%arg9 : memref<!tpu.dma_semaphore, #tpu.memory_space<semaphore_mem>>) src(%dma_wait3A_247 : memref<1600xi32, #tpu.memory_space<hbm>>) dst(%arg5 : memref<1600xi32, #tpu.memory_space<vmem>>)
    %add3A_248 = arith.constant 12800 : i32
    %add3A_249 = arith.addi %mul3A_2, %add3A_248 : i32
    %dma_wait3A_250 = arith.constant 0 : i32
    %dma_wait3A_251 = tpu.memref_slice %arg4[%add3A_249, %dma_wait3A_250] : memref<819200x32xf32, #tpu.memory_space<hbm>> -> memref<1600x32xf32, #tpu.memory_space<hbm>>
    %dma_wait3A_252 = arith.constant 0 : i32
    %dma_wait3A_253 = tpu.memref_slice %arg4[%add3A_249, %dma_wait3A_252] : memref<819200x32xf32, #tpu.memory_space<hbm>> -> memref<1600x32xf32, #tpu.memory_space<hbm>>
    tpu.wait_dma2 semaphore(%arg13 : memref<!tpu.dma_semaphore, #tpu.memory_space<semaphore_mem>>) src(%arg7 : memref<1600x32xf32, #tpu.memory_space<vmem>>) dst(%dma_wait3A_253 : memref<1600x32xf32, #tpu.memory_space<hbm>>)
    %dma_start3A_254 = arith.constant 0 : i32
    %dma_start3A_255 = arith.constant 0 : i32
    %dma_start3A_256 = tpu.memref_slice %arg3[%dma_start3A_254, %dma_start3A_255] : memref<1000000x32xf32, #tpu.memory_space<hbm>> -> memref<1000000x32xf32, #tpu.memory_space<hbm>>
    tpu.enqueue_indirect_dma source(%dma_start3A_256 : memref<1000000x32xf32, #tpu.memory_space<hbm>>) target(%arg7 : memref<1600x32xf32, #tpu.memory_space<vmem>>) offsets(%arg5 : memref<1600xi32, #tpu.memory_space<vmem>>) semaphore(%arg11 : memref<!tpu.dma_semaphore, #tpu.memory_space<semaphore_mem>>)
    %dma_wait3A_257 = arith.constant 0 : i32
    %dma_wait3A_258 = arith.constant 0 : i32
    %dma_wait3A_259 = tpu.memref_slice %arg3[%dma_wait3A_257, %dma_wait3A_258] : memref<1000000x32xf32, #tpu.memory_space<hbm>> -> memref<1000000x32xf32, #tpu.memory_space<hbm>>
    tpu.wait_indirect_dma semaphore(%arg12 : memref<!tpu.dma_semaphore, #tpu.memory_space<semaphore_mem>>) src(%dma_wait3A_259 : memref<1000000x32xf32, #tpu.memory_space<hbm>>) dst(%arg8 : memref<1600x32xf32, #tpu.memory_space<vmem>>)
    %add3A_260 = arith.constant 14400 : i32
    %add3A_261 = arith.addi %mul3A_2, %add3A_260 : i32
    %dma_start3A_262 = arith.constant 0 : i32
    %dma_start3A_263 = tpu.memref_slice %arg4[%add3A_261, %dma_start3A_262] : memref<819200x32xf32, #tpu.memory_space<hbm>> -> memref<1600x32xf32, #tpu.memory_space<hbm>>
    %dma_start3A_264 = arith.constant 0 : i32
    %dma_start3A_265 = tpu.memref_slice %arg4[%add3A_261, %dma_start3A_264] : memref<819200x32xf32, #tpu.memory_space<hbm>> -> memref<1600x32xf32, #tpu.memory_space<hbm>>
    tpu.enqueue_dma source(%arg8 : memref<1600x32xf32, #tpu.memory_space<vmem>>) target(%dma_start3A_265 : memref<1600x32xf32, #tpu.memory_space<hbm>>) target_semaphore(%arg14 : memref<!tpu.dma_semaphore, #tpu.memory_space<semaphore_mem>>)
    %add3A_266 = arith.constant 17600 : i32
    %add3A_267 = arith.addi %mul3A_2, %add3A_266 : i32
    %dma_start3A_268 = tpu.memref_slice %arg2[%add3A_267] : memref<819200xi32, #tpu.memory_space<hbm>> -> memref<1600xi32, #tpu.memory_space<hbm>>
    %dma_start3A_269 = tpu.memref_slice %arg2[%add3A_267] : memref<819200xi32, #tpu.memory_space<hbm>> -> memref<1600xi32, #tpu.memory_space<hbm>>
    tpu.enqueue_dma source(%dma_start3A_269 : memref<1600xi32, #tpu.memory_space<hbm>>) target(%arg6 : memref<1600xi32, #tpu.memory_space<vmem>>) target_semaphore(%arg10 : memref<!tpu.dma_semaphore, #tpu.memory_space<semaphore_mem>>)
    %add3A_270 = arith.constant 17600 : i32
    %add3A_271 = arith.addi %mul3A_2, %add3A_270 : i32
    %dma_wait3A_272 = tpu.memref_slice %arg2[%add3A_271] : memref<819200xi32, #tpu.memory_space<hbm>> -> memref<1600xi32, #tpu.memory_space<hbm>>
    %dma_wait3A_273 = tpu.memref_slice %arg2[%add3A_271] : memref<819200xi32, #tpu.memory_space<hbm>> -> memref<1600xi32, #tpu.memory_space<hbm>>
    tpu.wait_dma2 semaphore(%arg10 : memref<!tpu.dma_semaphore, #tpu.memory_space<semaphore_mem>>) src(%dma_wait3A_273 : memref<1600xi32, #tpu.memory_space<hbm>>) dst(%arg6 : memref<1600xi32, #tpu.memory_space<vmem>>)
    %add3A_274 = arith.constant 14400 : i32
    %add3A_275 = arith.addi %mul3A_2, %add3A_274 : i32
    %dma_wait3A_276 = arith.constant 0 : i32
    %dma_wait3A_277 = tpu.memref_slice %arg4[%add3A_275, %dma_wait3A_276] : memref<819200x32xf32, #tpu.memory_space<hbm>> -> memref<1600x32xf32, #tpu.memory_space<hbm>>
    %dma_wait3A_278 = arith.constant 0 : i32
    %dma_wait3A_279 = tpu.memref_slice %arg4[%add3A_275, %dma_wait3A_278] : memref<819200x32xf32, #tpu.memory_space<hbm>> -> memref<1600x32xf32, #tpu.memory_space<hbm>>
    tpu.wait_dma2 semaphore(%arg14 : memref<!tpu.dma_semaphore, #tpu.memory_space<semaphore_mem>>) src(%arg8 : memref<1600x32xf32, #tpu.memory_space<vmem>>) dst(%dma_wait3A_279 : memref<1600x32xf32, #tpu.memory_space<hbm>>)
    %dma_start3A_280 = arith.constant 0 : i32
    %dma_start3A_281 = arith.constant 0 : i32
    %dma_start3A_282 = tpu.memref_slice %arg3[%dma_start3A_280, %dma_start3A_281] : memref<1000000x32xf32, #tpu.memory_space<hbm>> -> memref<1000000x32xf32, #tpu.memory_space<hbm>>
    tpu.enqueue_indirect_dma source(%dma_start3A_282 : memref<1000000x32xf32, #tpu.memory_space<hbm>>) target(%arg8 : memref<1600x32xf32, #tpu.memory_space<vmem>>) offsets(%arg6 : memref<1600xi32, #tpu.memory_space<vmem>>) semaphore(%arg12 : memref<!tpu.dma_semaphore, #tpu.memory_space<semaphore_mem>>)
    %dma_wait3A_283 = arith.constant 0 : i32
    %dma_wait3A_284 = arith.constant 0 : i32
    %dma_wait3A_285 = tpu.memref_slice %arg3[%dma_wait3A_283, %dma_wait3A_284] : memref<1000000x32xf32, #tpu.memory_space<hbm>> -> memref<1000000x32xf32, #tpu.memory_space<hbm>>
    tpu.wait_indirect_dma semaphore(%arg11 : memref<!tpu.dma_semaphore, #tpu.memory_space<semaphore_mem>>) src(%dma_wait3A_285 : memref<1000000x32xf32, #tpu.memory_space<hbm>>) dst(%arg7 : memref<1600x32xf32, #tpu.memory_space<vmem>>)
    %add3A_286 = arith.constant 16000 : i32
    %add3A_287 = arith.addi %mul3A_2, %add3A_286 : i32
    %dma_start3A_288 = arith.constant 0 : i32
    %dma_start3A_289 = tpu.memref_slice %arg4[%add3A_287, %dma_start3A_288] : memref<819200x32xf32, #tpu.memory_space<hbm>> -> memref<1600x32xf32, #tpu.memory_space<hbm>>
    %dma_start3A_290 = arith.constant 0 : i32
    %dma_start3A_291 = tpu.memref_slice %arg4[%add3A_287, %dma_start3A_290] : memref<819200x32xf32, #tpu.memory_space<hbm>> -> memref<1600x32xf32, #tpu.memory_space<hbm>>
    tpu.enqueue_dma source(%arg7 : memref<1600x32xf32, #tpu.memory_space<vmem>>) target(%dma_start3A_291 : memref<1600x32xf32, #tpu.memory_space<hbm>>) target_semaphore(%arg13 : memref<!tpu.dma_semaphore, #tpu.memory_space<semaphore_mem>>)
    %add3A_292 = arith.constant 19200 : i32
    %add3A_293 = arith.addi %mul3A_2, %add3A_292 : i32
    %dma_start3A_294 = tpu.memref_slice %arg2[%add3A_293] : memref<819200xi32, #tpu.memory_space<hbm>> -> memref<1600xi32, #tpu.memory_space<hbm>>
    %dma_start3A_295 = tpu.memref_slice %arg2[%add3A_293] : memref<819200xi32, #tpu.memory_space<hbm>> -> memref<1600xi32, #tpu.memory_space<hbm>>
    tpu.enqueue_dma source(%dma_start3A_295 : memref<1600xi32, #tpu.memory_space<hbm>>) target(%arg5 : memref<1600xi32, #tpu.memory_space<vmem>>) target_semaphore(%arg9 : memref<!tpu.dma_semaphore, #tpu.memory_space<semaphore_mem>>)
    %add3A_296 = arith.constant 19200 : i32
    %add3A_297 = arith.addi %mul3A_2, %add3A_296 : i32
    %dma_wait3A_298 = tpu.memref_slice %arg2[%add3A_297] : memref<819200xi32, #tpu.memory_space<hbm>> -> memref<1600xi32, #tpu.memory_space<hbm>>
    %dma_wait3A_299 = tpu.memref_slice %arg2[%add3A_297] : memref<819200xi32, #tpu.memory_space<hbm>> -> memref<1600xi32, #tpu.memory_space<hbm>>
    tpu.wait_dma2 semaphore(%arg9 : memref<!tpu.dma_semaphore, #tpu.memory_space<semaphore_mem>>) src(%dma_wait3A_299 : memref<1600xi32, #tpu.memory_space<hbm>>) dst(%arg5 : memref<1600xi32, #tpu.memory_space<vmem>>)
    %add3A_300 = arith.constant 16000 : i32
    %add3A_301 = arith.addi %mul3A_2, %add3A_300 : i32
    %dma_wait3A_302 = arith.constant 0 : i32
    %dma_wait3A_303 = tpu.memref_slice %arg4[%add3A_301, %dma_wait3A_302] : memref<819200x32xf32, #tpu.memory_space<hbm>> -> memref<1600x32xf32, #tpu.memory_space<hbm>>
    %dma_wait3A_304 = arith.constant 0 : i32
    %dma_wait3A_305 = tpu.memref_slice %arg4[%add3A_301, %dma_wait3A_304] : memref<819200x32xf32, #tpu.memory_space<hbm>> -> memref<1600x32xf32, #tpu.memory_space<hbm>>
    tpu.wait_dma2 semaphore(%arg13 : memref<!tpu.dma_semaphore, #tpu.memory_space<semaphore_mem>>) src(%arg7 : memref<1600x32xf32, #tpu.memory_space<vmem>>) dst(%dma_wait3A_305 : memref<1600x32xf32, #tpu.memory_space<hbm>>)
    %dma_start3A_306 = arith.constant 0 : i32
    %dma_start3A_307 = arith.constant 0 : i32
    %dma_start3A_308 = tpu.memref_slice %arg3[%dma_start3A_306, %dma_start3A_307] : memref<1000000x32xf32, #tpu.memory_space<hbm>> -> memref<1000000x32xf32, #tpu.memory_space<hbm>>
    tpu.enqueue_indirect_dma source(%dma_start3A_308 : memref<1000000x32xf32, #tpu.memory_space<hbm>>) target(%arg7 : memref<1600x32xf32, #tpu.memory_space<vmem>>) offsets(%arg5 : memref<1600xi32, #tpu.memory_space<vmem>>) semaphore(%arg11 : memref<!tpu.dma_semaphore, #tpu.memory_space<semaphore_mem>>)
    %dma_wait3A_309 = arith.constant 0 : i32
    %dma_wait3A_310 = arith.constant 0 : i32
    %dma_wait3A_311 = tpu.memref_slice %arg3[%dma_wait3A_309, %dma_wait3A_310] : memref<1000000x32xf32, #tpu.memory_space<hbm>> -> memref<1000000x32xf32, #tpu.memory_space<hbm>>
    tpu.wait_indirect_dma semaphore(%arg12 : memref<!tpu.dma_semaphore, #tpu.memory_space<semaphore_mem>>) src(%dma_wait3A_311 : memref<1000000x32xf32, #tpu.memory_space<hbm>>) dst(%arg8 : memref<1600x32xf32, #tpu.memory_space<vmem>>)
    %add3A_312 = arith.constant 17600 : i32
    %add3A_313 = arith.addi %mul3A_2, %add3A_312 : i32
    %dma_start3A_314 = arith.constant 0 : i32
    %dma_start3A_315 = tpu.memref_slice %arg4[%add3A_313, %dma_start3A_314] : memref<819200x32xf32, #tpu.memory_space<hbm>> -> memref<1600x32xf32, #tpu.memory_space<hbm>>
    %dma_start3A_316 = arith.constant 0 : i32
    %dma_start3A_317 = tpu.memref_slice %arg4[%add3A_313, %dma_start3A_316] : memref<819200x32xf32, #tpu.memory_space<hbm>> -> memref<1600x32xf32, #tpu.memory_space<hbm>>
    tpu.enqueue_dma source(%arg8 : memref<1600x32xf32, #tpu.memory_space<vmem>>) target(%dma_start3A_317 : memref<1600x32xf32, #tpu.memory_space<hbm>>) target_semaphore(%arg14 : memref<!tpu.dma_semaphore, #tpu.memory_space<semaphore_mem>>)
    %add3A_318 = arith.constant 20800 : i32
    %add3A_319 = arith.addi %mul3A_2, %add3A_318 : i32
    %dma_start3A_320 = tpu.memref_slice %arg2[%add3A_319] : memref<819200xi32, #tpu.memory_space<hbm>> -> memref<1600xi32, #tpu.memory_space<hbm>>
    %dma_start3A_321 = tpu.memref_slice %arg2[%add3A_319] : memref<819200xi32, #tpu.memory_space<hbm>> -> memref<1600xi32, #tpu.memory_space<hbm>>
    tpu.enqueue_dma source(%dma_start3A_321 : memref<1600xi32, #tpu.memory_space<hbm>>) target(%arg6 : memref<1600xi32, #tpu.memory_space<vmem>>) target_semaphore(%arg10 : memref<!tpu.dma_semaphore, #tpu.memory_space<semaphore_mem>>)
    %add3A_322 = arith.constant 20800 : i32
    %add3A_323 = arith.addi %mul3A_2, %add3A_322 : i32
    %dma_wait3A_324 = tpu.memref_slice %arg2[%add3A_323] : memref<819200xi32, #tpu.memory_space<hbm>> -> memref<1600xi32, #tpu.memory_space<hbm>>
    %dma_wait3A_325 = tpu.memref_slice %arg2[%add3A_323] : memref<819200xi32, #tpu.memory_space<hbm>> -> memref<1600xi32, #tpu.memory_space<hbm>>
    tpu.wait_dma2 semaphore(%arg10 : memref<!tpu.dma_semaphore, #tpu.memory_space<semaphore_mem>>) src(%dma_wait3A_325 : memref<1600xi32, #tpu.memory_space<hbm>>) dst(%arg6 : memref<1600xi32, #tpu.memory_space<vmem>>)
    %add3A_326 = arith.constant 17600 : i32
    %add3A_327 = arith.addi %mul3A_2, %add3A_326 : i32
    %dma_wait3A_328 = arith.constant 0 : i32
    %dma_wait3A_329 = tpu.memref_slice %arg4[%add3A_327, %dma_wait3A_328] : memref<819200x32xf32, #tpu.memory_space<hbm>> -> memref<1600x32xf32, #tpu.memory_space<hbm>>
    %dma_wait3A_330 = arith.constant 0 : i32
    %dma_wait3A_331 = tpu.memref_slice %arg4[%add3A_327, %dma_wait3A_330] : memref<819200x32xf32, #tpu.memory_space<hbm>> -> memref<1600x32xf32, #tpu.memory_space<hbm>>
    tpu.wait_dma2 semaphore(%arg14 : memref<!tpu.dma_semaphore, #tpu.memory_space<semaphore_mem>>) src(%arg8 : memref<1600x32xf32, #tpu.memory_space<vmem>>) dst(%dma_wait3A_331 : memref<1600x32xf32, #tpu.memory_space<hbm>>)
    %dma_start3A_332 = arith.constant 0 : i32
    %dma_start3A_333 = arith.constant 0 : i32
    %dma_start3A_334 = tpu.memref_slice %arg3[%dma_start3A_332, %dma_start3A_333] : memref<1000000x32xf32, #tpu.memory_space<hbm>> -> memref<1000000x32xf32, #tpu.memory_space<hbm>>
    tpu.enqueue_indirect_dma source(%dma_start3A_334 : memref<1000000x32xf32, #tpu.memory_space<hbm>>) target(%arg8 : memref<1600x32xf32, #tpu.memory_space<vmem>>) offsets(%arg6 : memref<1600xi32, #tpu.memory_space<vmem>>) semaphore(%arg12 : memref<!tpu.dma_semaphore, #tpu.memory_space<semaphore_mem>>)
    %dma_wait3A_335 = arith.constant 0 : i32
    %dma_wait3A_336 = arith.constant 0 : i32
    %dma_wait3A_337 = tpu.memref_slice %arg3[%dma_wait3A_335, %dma_wait3A_336] : memref<1000000x32xf32, #tpu.memory_space<hbm>> -> memref<1000000x32xf32, #tpu.memory_space<hbm>>
    tpu.wait_indirect_dma semaphore(%arg11 : memref<!tpu.dma_semaphore, #tpu.memory_space<semaphore_mem>>) src(%dma_wait3A_337 : memref<1000000x32xf32, #tpu.memory_space<hbm>>) dst(%arg7 : memref<1600x32xf32, #tpu.memory_space<vmem>>)
    %add3A_338 = arith.constant 19200 : i32
    %add3A_339 = arith.addi %mul3A_2, %add3A_338 : i32
    %dma_start3A_340 = arith.constant 0 : i32
    %dma_start3A_341 = tpu.memref_slice %arg4[%add3A_339, %dma_start3A_340] : memref<819200x32xf32, #tpu.memory_space<hbm>> -> memref<1600x32xf32, #tpu.memory_space<hbm>>
    %dma_start3A_342 = arith.constant 0 : i32
    %dma_start3A_343 = tpu.memref_slice %arg4[%add3A_339, %dma_start3A_342] : memref<819200x32xf32, #tpu.memory_space<hbm>> -> memref<1600x32xf32, #tpu.memory_space<hbm>>
    tpu.enqueue_dma source(%arg7 : memref<1600x32xf32, #tpu.memory_space<vmem>>) target(%dma_start3A_343 : memref<1600x32xf32, #tpu.memory_space<hbm>>) target_semaphore(%arg13 : memref<!tpu.dma_semaphore, #tpu.memory_space<semaphore_mem>>)
    %add3A_344 = arith.constant 22400 : i32
    %add3A_345 = arith.addi %mul3A_2, %add3A_344 : i32
    %dma_start3A_346 = tpu.memref_slice %arg2[%add3A_345] : memref<819200xi32, #tpu.memory_space<hbm>> -> memref<1600xi32, #tpu.memory_space<hbm>>
    %dma_start3A_347 = tpu.memref_slice %arg2[%add3A_345] : memref<819200xi32, #tpu.memory_space<hbm>> -> memref<1600xi32, #tpu.memory_space<hbm>>
    tpu.enqueue_dma source(%dma_start3A_347 : memref<1600xi32, #tpu.memory_space<hbm>>) target(%arg5 : memref<1600xi32, #tpu.memory_space<vmem>>) target_semaphore(%arg9 : memref<!tpu.dma_semaphore, #tpu.memory_space<semaphore_mem>>)
    %add3A_348 = arith.constant 22400 : i32
    %add3A_349 = arith.addi %mul3A_2, %add3A_348 : i32
    %dma_wait3A_350 = tpu.memref_slice %arg2[%add3A_349] : memref<819200xi32, #tpu.memory_space<hbm>> -> memref<1600xi32, #tpu.memory_space<hbm>>
    %dma_wait3A_351 = tpu.memref_slice %arg2[%add3A_349] : memref<819200xi32, #tpu.memory_space<hbm>> -> memref<1600xi32, #tpu.memory_space<hbm>>
    tpu.wait_dma2 semaphore(%arg9 : memref<!tpu.dma_semaphore, #tpu.memory_space<semaphore_mem>>) src(%dma_wait3A_351 : memref<1600xi32, #tpu.memory_space<hbm>>) dst(%arg5 : memref<1600xi32, #tpu.memory_space<vmem>>)
    %add3A_352 = arith.constant 19200 : i32
    %add3A_353 = arith.addi %mul3A_2, %add3A_352 : i32
    %dma_wait3A_354 = arith.constant 0 : i32
    %dma_wait3A_355 = tpu.memref_slice %arg4[%add3A_353, %dma_wait3A_354] : memref<819200x32xf32, #tpu.memory_space<hbm>> -> memref<1600x32xf32, #tpu.memory_space<hbm>>
    %dma_wait3A_356 = arith.constant 0 : i32
    %dma_wait3A_357 = tpu.memref_slice %arg4[%add3A_353, %dma_wait3A_356] : memref<819200x32xf32, #tpu.memory_space<hbm>> -> memref<1600x32xf32, #tpu.memory_space<hbm>>
    tpu.wait_dma2 semaphore(%arg13 : memref<!tpu.dma_semaphore, #tpu.memory_space<semaphore_mem>>) src(%arg7 : memref<1600x32xf32, #tpu.memory_space<vmem>>) dst(%dma_wait3A_357 : memref<1600x32xf32, #tpu.memory_space<hbm>>)
    %dma_start3A_358 = arith.constant 0 : i32
    %dma_start3A_359 = arith.constant 0 : i32
    %dma_start3A_360 = tpu.memref_slice %arg3[%dma_start3A_358, %dma_start3A_359] : memref<1000000x32xf32, #tpu.memory_space<hbm>> -> memref<1000000x32xf32, #tpu.memory_space<hbm>>
    tpu.enqueue_indirect_dma source(%dma_start3A_360 : memref<1000000x32xf32, #tpu.memory_space<hbm>>) target(%arg7 : memref<1600x32xf32, #tpu.memory_space<vmem>>) offsets(%arg5 : memref<1600xi32, #tpu.memory_space<vmem>>) semaphore(%arg11 : memref<!tpu.dma_semaphore, #tpu.memory_space<semaphore_mem>>)
    %dma_wait3A_361 = arith.constant 0 : i32
    %dma_wait3A_362 = arith.constant 0 : i32
    %dma_wait3A_363 = tpu.memref_slice %arg3[%dma_wait3A_361, %dma_wait3A_362] : memref<1000000x32xf32, #tpu.memory_space<hbm>> -> memref<1000000x32xf32, #tpu.memory_space<hbm>>
    tpu.wait_indirect_dma semaphore(%arg12 : memref<!tpu.dma_semaphore, #tpu.memory_space<semaphore_mem>>) src(%dma_wait3A_363 : memref<1000000x32xf32, #tpu.memory_space<hbm>>) dst(%arg8 : memref<1600x32xf32, #tpu.memory_space<vmem>>)
    %add3A_364 = arith.constant 20800 : i32
    %add3A_365 = arith.addi %mul3A_2, %add3A_364 : i32
    %dma_start3A_366 = arith.constant 0 : i32
    %dma_start3A_367 = tpu.memref_slice %arg4[%add3A_365, %dma_start3A_366] : memref<819200x32xf32, #tpu.memory_space<hbm>> -> memref<1600x32xf32, #tpu.memory_space<hbm>>
    %dma_start3A_368 = arith.constant 0 : i32
    %dma_start3A_369 = tpu.memref_slice %arg4[%add3A_365, %dma_start3A_368] : memref<819200x32xf32, #tpu.memory_space<hbm>> -> memref<1600x32xf32, #tpu.memory_space<hbm>>
    tpu.enqueue_dma source(%arg8 : memref<1600x32xf32, #tpu.memory_space<vmem>>) target(%dma_start3A_369 : memref<1600x32xf32, #tpu.memory_space<hbm>>) target_semaphore(%arg14 : memref<!tpu.dma_semaphore, #tpu.memory_space<semaphore_mem>>)
    %add3A_370 = arith.constant 24000 : i32
    %add3A_371 = arith.addi %mul3A_2, %add3A_370 : i32
    %dma_start3A_372 = tpu.memref_slice %arg2[%add3A_371] : memref<819200xi32, #tpu.memory_space<hbm>> -> memref<1600xi32, #tpu.memory_space<hbm>>
    %dma_start3A_373 = tpu.memref_slice %arg2[%add3A_371] : memref<819200xi32, #tpu.memory_space<hbm>> -> memref<1600xi32, #tpu.memory_space<hbm>>
    tpu.enqueue_dma source(%dma_start3A_373 : memref<1600xi32, #tpu.memory_space<hbm>>) target(%arg6 : memref<1600xi32, #tpu.memory_space<vmem>>) target_semaphore(%arg10 : memref<!tpu.dma_semaphore, #tpu.memory_space<semaphore_mem>>)
    %add3A_374 = arith.constant 24000 : i32
    %add3A_375 = arith.addi %mul3A_2, %add3A_374 : i32
    %dma_wait3A_376 = tpu.memref_slice %arg2[%add3A_375] : memref<819200xi32, #tpu.memory_space<hbm>> -> memref<1600xi32, #tpu.memory_space<hbm>>
    %dma_wait3A_377 = tpu.memref_slice %arg2[%add3A_375] : memref<819200xi32, #tpu.memory_space<hbm>> -> memref<1600xi32, #tpu.memory_space<hbm>>
    tpu.wait_dma2 semaphore(%arg10 : memref<!tpu.dma_semaphore, #tpu.memory_space<semaphore_mem>>) src(%dma_wait3A_377 : memref<1600xi32, #tpu.memory_space<hbm>>) dst(%arg6 : memref<1600xi32, #tpu.memory_space<vmem>>)
    %add3A_378 = arith.constant 20800 : i32
    %add3A_379 = arith.addi %mul3A_2, %add3A_378 : i32
    %dma_wait3A_380 = arith.constant 0 : i32
    %dma_wait3A_381 = tpu.memref_slice %arg4[%add3A_379, %dma_wait3A_380] : memref<819200x32xf32, #tpu.memory_space<hbm>> -> memref<1600x32xf32, #tpu.memory_space<hbm>>
    %dma_wait3A_382 = arith.constant 0 : i32
    %dma_wait3A_383 = tpu.memref_slice %arg4[%add3A_379, %dma_wait3A_382] : memref<819200x32xf32, #tpu.memory_space<hbm>> -> memref<1600x32xf32, #tpu.memory_space<hbm>>
    tpu.wait_dma2 semaphore(%arg14 : memref<!tpu.dma_semaphore, #tpu.memory_space<semaphore_mem>>) src(%arg8 : memref<1600x32xf32, #tpu.memory_space<vmem>>) dst(%dma_wait3A_383 : memref<1600x32xf32, #tpu.memory_space<hbm>>)
    %dma_start3A_384 = arith.constant 0 : i32
    %dma_start3A_385 = arith.constant 0 : i32
    %dma_start3A_386 = tpu.memref_slice %arg3[%dma_start3A_384, %dma_start3A_385] : memref<1000000x32xf32, #tpu.memory_space<hbm>> -> memref<1000000x32xf32, #tpu.memory_space<hbm>>
    tpu.enqueue_indirect_dma source(%dma_start3A_386 : memref<1000000x32xf32, #tpu.memory_space<hbm>>) target(%arg8 : memref<1600x32xf32, #tpu.memory_space<vmem>>) offsets(%arg6 : memref<1600xi32, #tpu.memory_space<vmem>>) semaphore(%arg12 : memref<!tpu.dma_semaphore, #tpu.memory_space<semaphore_mem>>)
    %dma_wait3A_387 = arith.constant 0 : i32
    %dma_wait3A_388 = arith.constant 0 : i32
    %dma_wait3A_389 = tpu.memref_slice %arg3[%dma_wait3A_387, %dma_wait3A_388] : memref<1000000x32xf32, #tpu.memory_space<hbm>> -> memref<1000000x32xf32, #tpu.memory_space<hbm>>
    tpu.wait_indirect_dma semaphore(%arg11 : memref<!tpu.dma_semaphore, #tpu.memory_space<semaphore_mem>>) src(%dma_wait3A_389 : memref<1000000x32xf32, #tpu.memory_space<hbm>>) dst(%arg7 : memref<1600x32xf32, #tpu.memory_space<vmem>>)
    %add3A_390 = arith.constant 22400 : i32
    %add3A_391 = arith.addi %mul3A_2, %add3A_390 : i32
    %dma_start3A_392 = arith.constant 0 : i32
    %dma_start3A_393 = tpu.memref_slice %arg4[%add3A_391, %dma_start3A_392] : memref<819200x32xf32, #tpu.memory_space<hbm>> -> memref<1600x32xf32, #tpu.memory_space<hbm>>
    %dma_start3A_394 = arith.constant 0 : i32
    %dma_start3A_395 = tpu.memref_slice %arg4[%add3A_391, %dma_start3A_394] : memref<819200x32xf32, #tpu.memory_space<hbm>> -> memref<1600x32xf32, #tpu.memory_space<hbm>>
    tpu.enqueue_dma source(%arg7 : memref<1600x32xf32, #tpu.memory_space<vmem>>) target(%dma_start3A_395 : memref<1600x32xf32, #tpu.memory_space<hbm>>) target_semaphore(%arg13 : memref<!tpu.dma_semaphore, #tpu.memory_space<semaphore_mem>>)
    %dma_wait3A_396 = arith.constant 0 : i32
    %dma_wait3A_397 = arith.constant 0 : i32
    %dma_wait3A_398 = tpu.memref_slice %arg3[%dma_wait3A_396, %dma_wait3A_397] : memref<1000000x32xf32, #tpu.memory_space<hbm>> -> memref<1000000x32xf32, #tpu.memory_space<hbm>>
    tpu.wait_indirect_dma semaphore(%arg12 : memref<!tpu.dma_semaphore, #tpu.memory_space<semaphore_mem>>) src(%dma_wait3A_398 : memref<1000000x32xf32, #tpu.memory_space<hbm>>) dst(%arg8 : memref<1600x32xf32, #tpu.memory_space<vmem>>)
    %add3A_399 = arith.constant 24000 : i32
    %add3A_400 = arith.addi %mul3A_2, %add3A_399 : i32
    %dma_start3A_401 = arith.constant 0 : i32
    %dma_start3A_402 = tpu.memref_slice %arg4[%add3A_400, %dma_start3A_401] : memref<819200x32xf32, #tpu.memory_space<hbm>> -> memref<1600x32xf32, #tpu.memory_space<hbm>>
    %dma_start3A_403 = arith.constant 0 : i32
    %dma_start3A_404 = tpu.memref_slice %arg4[%add3A_400, %dma_start3A_403] : memref<819200x32xf32, #tpu.memory_space<hbm>> -> memref<1600x32xf32, #tpu.memory_space<hbm>>
    tpu.enqueue_dma source(%arg8 : memref<1600x32xf32, #tpu.memory_space<vmem>>) target(%dma_start3A_404 : memref<1600x32xf32, #tpu.memory_space<hbm>>) target_semaphore(%arg14 : memref<!tpu.dma_semaphore, #tpu.memory_space<semaphore_mem>>)
    %add3A_405 = arith.constant 22400 : i32
    %add3A_406 = arith.addi %mul3A_2, %add3A_405 : i32
    %dma_wait3A_407 = arith.constant 0 : i32
    %dma_wait3A_408 = tpu.memref_slice %arg4[%add3A_406, %dma_wait3A_407] : memref<819200x32xf32, #tpu.memory_space<hbm>> -> memref<1600x32xf32, #tpu.memory_space<hbm>>
    %dma_wait3A_409 = arith.constant 0 : i32
    %dma_wait3A_410 = tpu.memref_slice %arg4[%add3A_406, %dma_wait3A_409] : memref<819200x32xf32, #tpu.memory_space<hbm>> -> memref<1600x32xf32, #tpu.memory_space<hbm>>
    tpu.wait_dma2 semaphore(%arg13 : memref<!tpu.dma_semaphore, #tpu.memory_space<semaphore_mem>>) src(%arg7 : memref<1600x32xf32, #tpu.memory_space<vmem>>) dst(%dma_wait3A_410 : memref<1600x32xf32, #tpu.memory_space<hbm>>)
    %add3A_411 = arith.constant 24000 : i32
    %add3A_412 = arith.addi %mul3A_2, %add3A_411 : i32
    %dma_wait3A_413 = arith.constant 0 : i32
    %dma_wait3A_414 = tpu.memref_slice %arg4[%add3A_412, %dma_wait3A_413] : memref<819200x32xf32, #tpu.memory_space<hbm>> -> memref<1600x32xf32, #tpu.memory_space<hbm>>
    %dma_wait3A_415 = arith.constant 0 : i32
    %dma_wait3A_416 = tpu.memref_slice %arg4[%add3A_412, %dma_wait3A_415] : memref<819200x32xf32, #tpu.memory_space<hbm>> -> memref<1600x32xf32, #tpu.memory_space<hbm>>
    tpu.wait_dma2 semaphore(%arg14 : memref<!tpu.dma_semaphore, #tpu.memory_space<semaphore_mem>>) src(%arg8 : memref<1600x32xf32, #tpu.memory_space<vmem>>) dst(%dma_wait3A_416 : memref<1600x32xf32, #tpu.memory_space<hbm>>)
    return
  }
}

</mosaic_0001>

<sc_bundles>
// kernel: kernel.3.cloned.1.call-start
scs
__scs_entry_jumppad:
0x0: {  	(pc) =	sbr.rel $0x88, $3  }
0x1: {  	(tag) =	ssettag $0x0;
	lr =	simm.s32 $0x1  }
0x2: {  	[smem:$0x3F9F] =	sst lr;
	_ =	strace $0xD0000000  }
0x3: {  	_ = 	snop  }
0x4: {  	_ = 	snop  }
0x5: {  	_ = 	snop  }
0x6: {  	_ = 	snop  }
0x7: {  	_ = 	snop  }
__scs_overlays_trampoline_lowered:
0x8: {  	[smem:$0x3FAE] =	sst s0  }
0x9: {  	[smem:$0x3FAF] =	sst s1  }
0xa: {  	[smem:$0x3FB0] =	sst s2  }
0xb: {  	[smem:$0x3FB1] =	sst s3  }
0xc: {  	[smem:$0x3FB2] =	sst s4  }
0xd: {  	[smem:$0x3FB3] =	sst s5  }
0xe: {  	[smem:$0x3FB4] =	sst s6  }
0xf: {  	[smem:$0x3FB5] =	sst s7  }
0x10: {  	[smem:$0x3FB6] =	sst s8  }
0x11: {  	[smem:$0x3FB7] =	sst s9;
	s0 =	simm.s32 @!p0 $0x0  }
0x12: {  	s1 =	sld [smem:$0x3F9D];
	s0 =	simm.s32 @p0 $0x1  }
0x13: {  	[smem:$0x3FB8] =	sst s0;
	s0 =	simm.s32 @!p1 $0x0  }
0x14: {  	s2 =	sld [smem:$0x3F9C];
	s0 =	simm.s32 @p1 $0x1  }
0x15: {  	[smem:$0x3FB9] =	sst s0;
	s0 =	simm.s32 @!p2 $0x0  }
0x16: {  	s3 =	sld [smem:$0x3FDB];
	s0 =	simm.s32 @p2 $0x1  }
0x17: {  	s4 =	simm.s32 $0x1BF5;
	[smem:$0x3FBB] =	sst s0  }
0x18: {  	s0 =	sld [smem:$0x3F9E];
	_ =	swait.ge [sflag:s4], $0x0  }
0x19: {  	s7 =	sld [smem:$0x3F9F]  }
0x1a: {  	s8 =	sadd.s32 $0xFFFFE003, lr  }
0x1b: {  	s9 =	sadd.s32 $0xFFFFFEF7, lr;
	s5 =	simm.s32 $0xFFFFFFFF;
	p2 =	slt.u32 s8, $0xFFFFF086  }
0x1c: {  	p1 =	slt.u32 s9, $0xF7A;
	s5 =	simm.s32 @!p2 $0x0  }
0x1d: {  	s5 =	simm.s32 @p1 $0x1;
	p0 =	seq.s32 s7, s2  }
0x1e: {  	s7 =	smul.u32 @!p0 $0xF7A, s2;
	p2 =	seq.s32 @!p0 s5, $0x0  }
0x1f: {  	s9 =	smul.u32 $0xF7A, s1;
	s8 =	simm.s32 @!p0 $0x1BF5;
	p2 =	por !p2, p0  }
0x20: {  	[sflag:s8] =	ssyncset.s32 @!p0 $0xFFFFF086;
	s6 =	sadd.s32 @!p0 s3, s7;
	s7 =	simm.s32 @!p0 $0x108  }
0x21: {  	s3 =	sadd.s32 s3, s9;
	s6 =	sadd.s32 @!p0 $0x88, s6;
	s7 =	simm.s32 @p2 $0x1082  }
0x22: {  	[simem:s7], [sflag:s8] =	dma.local @!p0 [hbm:s6], $0xF7A  }
0x23: {  	s9 =	sor.u32 $0xD0000000, s2;
	s6 =	simm.s32 $0x108;
	_ =	swait.ge @!p0 [sflag:s8], $0x0  }
0x24: {  	s3 =	sadd.s32 $0x88, s3;
	s6 =	simm.s32 @!p1 $0x1082;
	[sflag:s4] =	ssyncset.s32 $0xFFFFF086  }
0x25: {  	[simem:s6], [sflag:s4] =	dma.local [hbm:s3], $0xF7A  }
0x26: {  	[smem:$0x3F9F] =	sst s1;
	(tag) =	ssettag s2;
	_ =	strace s9  }
0x27: {  	s1 =	sld [smem:$0x3FAF]  }
0x28: {  	s2 =	sld [smem:$0x3FB0]  }
0x29: {  	s4 =	sld [smem:$0x3FB2]  }
0x2a: {  	p0 =	seq.s32 s5, $0x0;
	s5 =	sld [smem:$0x3FB3]  }
0x2b: {  	s6 =	sld [smem:$0x3FB4]  }
0x2c: {  	s7 =	sld [smem:$0x3FB5]  }
0x2d: {  	s3 =	simm.s32 $0x108;
	s8 =	sld [smem:$0x3FB6]  }
0x2e: {  	s3 =	simm.s32 @!p0 $0x1082;
	s9 =	sld [smem:$0x3FB7]  }
0x2f: {  	lr =	sadd.s32 s0, s3;
	s0 =	sld [smem:$0x3FAE]  }
0x30: {  	s3 =	sld [smem:$0x3FB1]  }
0x31: {  	[smem:$0x3FBA] =	sst s10  }
0x32: {  	s10 =	sld [smem:$0x3FB8];
	_ =	sdelay $0x3  }
0x33: {  	p0 =	seq.s32 s10, $0x1;
	s10 =	sld [smem:$0x3FBA];
	_ =	sdelay $0x3  }
0x34: {  	[smem:$0x3FBA] =	sst s10  }
0x35: {  	s10 =	sld [smem:$0x3FB9];
	_ =	sdelay $0x3  }
0x36: {  	p1 =	seq.s32 s10, $0x1;
	s10 =	sld [smem:$0x3FBA];
	_ =	sdelay $0x3  }
0x37: {  	[smem:$0x3FBA] =	sst s10  }
0x38: {  	s10 =	sld [smem:$0x3FBB]  }
0x39: {  	_ = 	snop;
	(pc) =	sbr.ind lr, $3  }
0x3a: {  	_ = 	snop  }
0x3b: {  	_ = 	snop  }
0x3c: {  	p2 =	seq.s32 s10, $0x1;
	s10 =	sld [smem:$0x3FBA]  }
0x3d: {  	_ =	shalt  }
0x3e: {  	_ =	shalt  }
0x3f: {  	_ =	shalt  }
0x40: {  	_ =	shalt  }
0x41: {  	_ =	shalt  }
0x42: {  	_ =	shalt  }
0x43: {  	_ =	shalt  }
0x44: {  	_ =	shalt  }
0x45: {  	_ =	shalt  }
0x46: {  	_ =	shalt  }
0x47: {  	_ =	shalt  }
0x48: {  	_ =	shalt  }
0x49: {  	_ =	shalt  }
0x4a: {  	_ =	shalt  }
0x4b: {  	_ =	shalt  }
0x4c: {  	_ =	shalt  }
0x4d: {  	_ =	shalt  }
0x4e: {  	_ =	shalt  }
0x4f: {  	_ =	shalt  }
0x50: {  	_ =	shalt  }
0x51: {  	_ =	shalt  }
0x52: {  	_ =	shalt  }
0x53: {  	_ =	shalt  }
0x54: {  	_ =	shalt  }
0x55: {  	_ =	shalt  }
0x56: {  	_ =	shalt  }
0x57: {  	_ =	shalt  }
0x58: {  	_ =	shalt  }
0x59: {  	_ =	shalt  }
0x5a: {  	_ =	shalt  }
0x5b: {  	_ =	shalt  }
0x5c: {  	_ =	shalt  }
0x5d: {  	_ =	shalt  }
0x5e: {  	_ =	shalt  }
0x5f: {  	_ =	shalt  }
0x60: {  	_ =	shalt  }
0x61: {  	_ =	shalt  }
0x62: {  	_ =	shalt  }
0x63: {  	_ =	shalt  }
0x64: {  	_ =	shalt  }
0x65: {  	_ =	shalt  }
0x66: {  	_ =	shalt  }
0x67: {  	_ =	shalt  }
0x68: {  	_ =	shalt  }
0x69: {  	_ =	shalt  }
0x6a: {  	_ =	shalt  }
0x6b: {  	_ =	shalt  }
0x6c: {  	_ =	shalt  }
0x6d: {  	_ =	shalt  }
0x6e: {  	_ =	shalt  }
0x6f: {  	_ =	shalt  }
0x70: {  	_ =	shalt  }
0x71: {  	_ =	shalt  }
0x72: {  	_ =	shalt  }
0x73: {  	_ =	shalt  }
0x74: {  	_ =	shalt  }
0x75: {  	_ =	shalt  }
0x76: {  	_ =	shalt  }
0x77: {  	_ =	shalt  }
0x78: {  	_ =	shalt  }
0x79: {  	_ =	shalt  }
0x7a: {  	_ =	shalt  }
0x7b: {  	_ =	shalt  }
0x7c: {  	_ =	shalt  }
0x7d: {  	_ =	shalt  }
0x7e: {  	_ =	shalt  }
0x7f: {  	_ =	shalt  }
0x80: {  	_ =	shalt  }
0x81: {  	_ =	shalt  }
0x82: {  	_ =	shalt  }
0x83: {  	_ =	shalt  }
0x84: {  	_ =	shalt  }
0x85: {  	_ =	shalt  }
0x86: {  	_ =	shalt  }
0x87: {  	_ =	shalt  }
.Lfunc_end0:
.L_simem_size_0:
called_computation.1_lowered:
.L_overlay_start_0:
0x88: {  	s2 =	sld [smem:$0x3FD9]  }
0x89: {  	s3 =	sld [smem:$0x3FFE];
	_ =	sdelay $0x1  }
0x8a: {  	s1 =	srdreg.scid  }
0x8b: {  	s0 =	sand.u32 $0x1, s1  }
0x8c: {  	s17 =	sshll.u32 s0, $0xA;
	s2 =	sadd.s32 s3, s2  }
0x8d: {  	s2 =	sadd.s32 s2, s17  }
0x8e: {  	[smem:$0x3FC6] =	sst s2  }
0x8f: {  	_ = 	snop  }
0x90: {  	s2 =	sld [smem:$0x3FD0];
	(tm) =	ssettm $0x1  }
0x91: {  	s18 =	sld [smem:$0x3FFB];
	_ =	sdelay $0x3  }
0x92: {  	_ =	strace s18  }
0x93: {  	s3 =	sld [smem:$0x3FFC];
	_ =	sdelay $0x3  }
0x94: {  	_ =	strace s3  }
0x95: {  	s3 =	sld [smem:$0x3FFD];
	_ =	sdelay $0x3  }
0x96: {  	_ =	strace s3  }
0x97: {  	_ =	strace $0x8FFFFFFF  }
0x98: {  	s19 =	sld [smem:$0x3FDB];
	_ =	sdelay $0x1  }
0x99: {  	s4 =	simm.s32 $_scs_section_size  }
0x9a: {  	s5 =	simm.s32 $_size__tile_overlayer_lowered;
	s6 =	simm.s32 $_tile_overlayer_lowered  }
0x9b: {  	s22 =	simm.s32 $0x1BFF;
	s21 =	sshll.u32 s6, $0x1;
	s3 =	sadd.s32 s4, s19  }
0x9c: {  	s7 =	simm.s32 $0x0;
	s20 =	sshll.u32 s5, $0x1;
	s5 =	sadd.s32 s21, s3  }
0x9d: {  	[timem:s7], [sflag:s22] =	dma.local [hbm:s5], s20  }
0x9e: {  	_ =	swait.ge [sflag:s22], s20  }
0x9f: {  	s4 =	ssub.s32 $0x0, s20;
	[sflag:s22] =	ssyncset.done $0x0  }
0xa0: {  	[sflag:s22] =	ssyncadd.s32 s4;
	_ =	sdelay $0x1  }
0xa1: {  	s23 =	simm.s32 $0x1B8B  }
0xa2: {  	_ =	swait.ge [sflag:s23], $0x1  }
0xa3: {  	[sflag:s23] =	ssyncset.done $0x0  }
0xa4: {  	s25 =	simm.s32 $0x1B8E;
	s24 =	sld [smem:$0x3FFE];
	[sflag:s23] =	ssyncadd.s32 $0xFFFFFFFF  }
0xa5: {  	s26 =	simm.s32 $execute0_lowered;
	[smem:$0x3FD2] =	sst s25  }
0xa6: {  	s5 =	sshll.u32 s26, $0x1;
	_ =	strace $0x80000046;
	[dreg:$0x1] =	wrdreg $0xFFFFFFFF  }
0xa7: {  	s28 =	simm.s32 $_size_execute0_lowered;
	s3 =	sadd.s32 s3, s5;
	[dreg:$0x0] =	wrdreg $0x0  }
0xa8: {  	s5 =	sshll.u32 s28, $0x1;
	[dreg:$0x2] =	wrdreg s3  }
0xa9: {  	[dreg:$0x3] =	wrdreg s5  }
0xaa: {  	[dreg:$0x4] =	wrdreg $0xC0  }
0xab: {  	_ =	task [dreg:s7], $0x5FFFF  }
0xac: {  	[dreg:$0x1] =	wrdreg $0xFFFFFFFF  }
0xad: {  	[dreg:$0x0] =	wrdreg $0x60  }
0xae: {  	[dreg:$0x2] =	wrdreg s24  }
0xaf: {  	[dreg:$0x3] =	wrdreg s2  }
0xb0: {  	[dreg:$0x4] =	wrdreg $0x9  }
0xb1: {  	_ =	task.clear_ibuf [dreg:s7], $0x5FFFF;
	_ =	strace $0x90000046  }
0xb2: {  	s29 =	simm.s32 $0x9;
	_ =	strace $0x80000048  }
0xb3: {  	_ =	swait.ge [sflag:s29], $0x1  }
0xb4: {  	[sflag:s29] =	ssyncadd.s32 $0xFFFFFFFF  }
0xb5: {  	_ =	strace $0x90000048  }
0xb6: {  	_ =	sfence  }
0xb7: {  	s30 =	sld [smem:$0x0];
	_ =	sdelay $0x2  }
0xb8: {  	s31 =	sshll.u32 s1, $0xD;
	s1 =	sshrl.u32 s1, $0x2  }
0xb9: {  	s3 =	sand.u32 $0x4000, s31;
	s1 =	sadd.s32 s1, s30  }
0xba: {  	s0 =	sor.u32 s3, s0;
	s1 =	sshll.u32 s1, $0x11  }
0xbb: {  	s0 =	sor.u32 s1, s0  }
0xbc: {  	s0 =	sadd.s32 $0x8F2B, s0  }
0xbd: {  	[sflag:s0] =	ssyncadd.remote.s32 $0x1  }
0xbe: {  	_ =	sfence.sel $0xFFFF  }
0xbf: {  	[dreg:$0x0] =	wrdreg $0xFFFFFFFF;
	(pc) =	sbr.abs _section_cstart, $3  }
0xc0: {  	[dreg:$0x1] =	wrdreg $0xFFFFFFFF  }
0xc1: {  	_ =	task.clear_ibuf [dreg:s7], $0x2FFFF;
	_ =	strace $0x9FFFFFFF  }
0xc2: {  	(tm) =	ssettm $0x7FFFFFFF  }
0xc3: {  	_ =	shalt  }
tec
execute0_lowered:
.L_overlay_start_1:
0x0: {  	(tag) =	ssettag $0x1  }
0x1: {  	s0 =	rddreg [dreg:$0x0];
	s2 =	srdreg.scid  }
0x2: {  	s3 =	stileid.u32;
	s1 =	rddreg [dreg:$0x1];
	p0 =	por $0x0, $0x0  }
0x3: {  	s31 =	simm.s32 $0x6;
	s6 =	sand.u32 $0x1, s2;
	s3 =	sshll.u32 s3, $0x1  }
0x4: {  	s2 =	simm.s32 $0x0;
	s11 =	sadd.s32 $0xA00, s0;
	s7 =	sor.u32 s6, s3  }
0x5: {  	[smem:$0x7FF] =	sst s2;
	s3 =	sadd.s32 $0xF42E00, s0;
	s5 =	smul.u32 $0x6400, s7  }
0x6: {  	s6 =	ssub.s32 $0x2, s6;
	_ =	strace $0x80000047;
	s7 =	smul.u32 $0x19000, s7  }
0x7: {  	s23 =	sshrl.u32 s5, $0x3;
	s8 =	sadd.s32 $0x640, s5;
	s25 =	sadd.s32 $0xC80, s5  }
0x8: {  	s26 =	sadd.s32 s1, s7;
	s14 =	sadd.s32 $0x12C0, s5;
	s17 =	sadd.s32 $0x1900, s5  }
0x9: {  	s22 =	sadd.s32 $0x1F40, s5;
	s0 =	sadd.s32 s11, s23;
	s9 =	sshrl.u32 s8, $0x3  }
0xa: {  	s4 =	sshrl.u32 s25, $0x3;
	[dreg:$0x5] =	wrdreg s26;
	s12 =	sshll.u32 s8, $0x2  }
0xb: {  	s15 =	sshrl.u32 s14, $0x3;
	s16 =	sshll.u32 s25, $0x2;
	s19 =	sshrl.u32 s17, $0x3  }
0xc: {  	s7 =	sshll.u32 s14, $0x2;
	[dreg:$0x3] =	wrdreg s0;
	s24 =	sadd.s32 s11, s9  }
0xd: {  	s23 =	sshrl.u32 s6, $0x1;
	s10 =	sadd.s32 s11, s4;
	[dreg:$0x4] =	wrdreg s24  }
0xe: {  	s14 =	sadd.s32 $0x3200, s5;
	s13 =	sadd.s32 s1, s12;
	[dreg:$0x6] =	wrdreg s10  }
0xf: {  	s0 =	sadd.s32 s11, s15;
	s18 =	sadd.s32 s1, s16;
	[dreg:$0x7] =	wrdreg s13  }
0x10: {  	s20 =	sadd.s32 s11, s19;
	s21 =	sadd.s32 s1, s7;
	[dreg:$0x8] =	wrdreg s0  }
0x11: {  	s9 =	sshll.u32 s17, $0x2;
	s7 =	sshll.u32 s22, $0x2;
	[dreg:$0x9] =	wrdreg s18  }
0x12: {  	s6 =	ssub.s32 s6, s23;
	s15 =	sshrl.u32 s14, $0x3;
	[dreg:$0xa] =	wrdreg s20  }
0x13: {  	s17 =	sadd.s32 $0x3840, s5;
	s19 =	sshll.u32 s14, $0x2;
	[dreg:$0xb] =	wrdreg s21  }
0x14: {  	s24 =	sshrl.u32 s22, $0x3;
	s10 =	sadd.s32 $0x2580, s5;
	s25 =	sadd.s32 s1, s9  }
0x15: {  	s7 =	sadd.s32 s1, s7;
	s9 =	sadd.s32 $0x2BC0, s5;
	s18 =	sshrl.u32 s17, $0x3  }
0x16: {  	s20 =	sadd.s32 $0x3E80, s5;
	s22 =	sadd.s32 $0x44C0, s5;
	[dreg:$0xd] =	wrdreg s25  }
0x17: {  	s0 =	sadd.s32 s11, s24;
	s26 =	sshrl.u32 s10, $0x3;
	[dreg:$0xf] =	wrdreg s7  }
0x18: {  	s12 =	sshrl.u32 s9, $0x3;
	s13 =	sshll.u32 s10, $0x2;
	s16 =	sshll.u32 s9, $0x2  }
0x19: {  	s29 =	sadd.s32 s11, s18;
	s25 =	sadd.s32 s1, s19;
	s21 =	sshrl.u32 s20, $0x3  }
0x1a: {  	s7 =	sshll.u32 s17, $0x2;
	s8 =	sshrl.u32 s22, $0x3;
	s10 =	sadd.s32 $0x4B00, s5  }
0x1b: {  	s17 =	sadd.s32 $0x5780, s5;
	s9 =	simm.s32 $0xD480;
	[dreg:$0xc] =	wrdreg s0  }
0x1c: {  	s4 =	sadd.s32 s11, s26;
	s0 =	sadd.s32 s11, s12;
	s30 =	sadd.s32 s1, s13  }
0x1d: {  	s28 =	sadd.s32 s1, s16;
	s26 =	sadd.s32 s11, s21;
	s23 =	sadd.s32 s1, s7  }
0x1e: {  	s24 =	sadd.s32 s11, s8;
	s12 =	sshrl.u32 s10, $0x3;
	s13 =	sshll.u32 s22, $0x2  }
0x1f: {  	s7 =	sshll.u32 s10, $0x2;
	s19 =	sshrl.u32 s17, $0x3;
	[dreg:$0xe] =	wrdreg s4  }
0x20: {  	s8 =	sadd.s32 $0x5DC0, s5;
	[dreg:$0x10] =	wrdreg s0;
	s4 =	sadd.s32 s11, s15  }
0x21: {  	s0 =	sshll.u32 s20, $0x2;
	s22 =	sadd.s32 s11, s12;
	s14 =	sadd.s32 s1, s13  }
0x22: {  	s15 =	sadd.s32 $0x5140, s5;
	s18 =	sadd.s32 s11, s19;
	s10 =	sshrl.u32 s8, $0x3  }
0x23: {  	s13 =	sshll.u32 s17, $0x2;
	s17 =	smax.u32 s6, $0x1;
	s19 =	simm.s32 $0x1  }
0x24: {  	s21 =	sadd.s32 s1, s0;
	[dreg:$0x12] =	wrdreg s14;
	s16 =	sshrl.u32 s15, $0x3  }
0x25: {  	s0 =	sshll.u32 s15, $0x2;
	s15 =	sadd.s32 s11, s10;
	p1 =	sne.s32 s17, $0x1  }
.Ltmp0:
0x26: {  	s10 =	sadd.s32 s1, s13;
	s14 =	sshll.u32 s8, $0x2;
	(pc) =	sbr.rel @!p1 .LBB2_3-.Ltmp0, $4  }
0x27: {  	s6 =	sadd.s32 $0xFFFFFFFF, s17;
	s17 =	simm.s32 $0x2;
	s8 =	simm.s32 $0x5  }
0x28: {  	s13 =	simm.s32 $0x4;
	s20 =	sadd.s32 s11, s16;
	s16 =	sadd.s32 s1, s7  }
0x29: {  	s12 =	sadd.s32 s1, s0;
	s5 =	sadd.s32 s1, s14;
	s11 =	simm.s32 $0x640  }
0x2a: {  	s7 =	simm.s32 $0xC80;
	s14 =	simm.s32 $0x3;
	s0 =	rddreg [dreg:$0x3]  }
0x2b: {  	[tilespmem:s2], [sflag:$0x1] =	stream.linear.gather [hbm4b:s0+s2], $0x640, $0x38;
	[tilespmem:$0x19C80] =	vst v63  }
0x2c: {  	_ =	swait.ge [sflag:s19], $0x640  }
0x2d: {  	[sflag:s19] =	ssyncset.done $0x0  }
0x2e: {  	[sflag:s19] =	ssyncadd.s32 $0xFFFFF9C0  }
0x2f: {  	[tilespmem:s7], [sflag:$0x3] =	stream.indirect.gather [hbm4b:s3+s11], $0x20, s2, s11, $0xb8;
	[tilespmem:$0x19C80] =	vst v63  }
0x30: {  	s1 =	rddreg [dreg:$0x4]  }
0x31: {  	[tilespmem:s11], [sflag:$0x2] =	stream.linear.gather [hbm4b:s1+s2], $0x640, $0x38;
	[tilespmem:$0x19C80] =	vst v63  }
0x32: {  	_ =	swait.ge [sflag:s17], $0x640  }
0x33: {  	[sflag:s17] =	ssyncset.done $0x0  }
0x34: {  	[sflag:s17] =	ssyncadd.s32 $0xFFFFF9C0  }
0x35: {  	[tilespmem:s9], [sflag:$0x4] =	stream.indirect.gather [hbm4b:s3+s11], $0x20, s11, s11, $0xb8;
	[tilespmem:$0x19C80] =	vst v63  }
0x36: {  	_ =	swait.ge [sflag:s14], $0xC800  }
0x37: {  	[sflag:s14] =	ssyncset.done $0x0  }
0x38: {  	s0 =	rddreg [dreg:$0x5];
	[sflag:s14] =	ssyncadd.s32 $0xFFFF3800  }
0x39: {  	[hbm4b:s0+s2] =	stream.linear.scatter [tilespmem:s7], [sflag:$0x5], $0xC800, $0x38;
	[tilespmem:$0x19C80] =	vst v63  }
0x3a: {  	s1 =	rddreg [dreg:$0x6]  }
0x3b: {  	[tilespmem:s2], [sflag:$0x1] =	stream.linear.gather [hbm4b:s1+s2], $0x640, $0x38;
	[tilespmem:$0x19C80] =	vst v63  }
0x3c: {  	_ =	swait.ge [sflag:s19], $0x640  }
0x3d: {  	[sflag:s19] =	ssyncset.done $0x0  }
0x3e: {  	[sflag:s19] =	ssyncadd.s32 $0xFFFFF9C0  }
0x3f: {  	_ =	swait.ge [sflag:s8], $0xC800  }
0x40: {  	[sflag:s8] =	ssyncset.done $0x0  }
0x41: {  	[sflag:s8] =	ssyncadd.s32 $0xFFFF3800  }
0x42: {  	[tilespmem:s7], [sflag:$0x3] =	stream.indirect.gather [hbm4b:s3+s11], $0x20, s2, s11, $0xb8;
	[tilespmem:$0x19C80] =	vst v63  }
0x43: {  	_ =	swait.ge [sflag:s13], $0xC800  }
0x44: {  	[sflag:s13] =	ssyncset.done $0x0  }
0x45: {  	s0 =	rddreg [dreg:$0x7];
	[sflag:s13] =	ssyncadd.s32 $0xFFFF3800  }
0x46: {  	[hbm4b:s0+s2] =	stream.linear.scatter [tilespmem:s9], [sflag:$0x6], $0xC800, $0x38;
	[tilespmem:$0x19C80] =	vst v63  }
0x47: {  	s1 =	rddreg [dreg:$0x8]  }
0x48: {  	[tilespmem:s11], [sflag:$0x2] =	stream.linear.gather [hbm4b:s1+s2], $0x640, $0x38;
	[tilespmem:$0x19C80] =	vst v63  }
0x49: {  	_ =	swait.ge [sflag:s17], $0x640  }
0x4a: {  	[sflag:s17] =	ssyncset.done $0x0  }
0x4b: {  	[sflag:s17] =	ssyncadd.s32 $0xFFFFF9C0  }
0x4c: {  	_ =	swait.ge [sflag:s31], $0xC800  }
0x4d: {  	[sflag:s31] =	ssyncset.done $0x0  }
0x4e: {  	[sflag:s31] =	ssyncadd.s32 $0xFFFF3800  }
0x4f: {  	[tilespmem:s9], [sflag:$0x4] =	stream.indirect.gather [hbm4b:s3+s11], $0x20, s11, s11, $0xb8;
	[tilespmem:$0x19C80] =	vst v63  }
0x50: {  	_ =	swait.ge [sflag:s14], $0xC800  }
0x51: {  	[sflag:s14] =	ssyncset.done $0x0  }
0x52: {  	s0 =	rddreg [dreg:$0x9];
	[sflag:s14] =	ssyncadd.s32 $0xFFFF3800  }
0x53: {  	[hbm4b:s0+s2] =	stream.linear.scatter [tilespmem:s7], [sflag:$0x5], $0xC800, $0x38;
	[tilespmem:$0x19C80] =	vst v63  }
0x54: {  	s1 =	rddreg [dreg:$0xa]  }
0x55: {  	[tilespmem:s2], [sflag:$0x1] =	stream.linear.gather [hbm4b:s1+s2], $0x640, $0x38;
	[tilespmem:$0x19C80] =	vst v63  }
0x56: {  	_ =	swait.ge [sflag:s19], $0x640  }
0x57: {  	[sflag:s19] =	ssyncset.done $0x0  }
0x58: {  	[sflag:s19] =	ssyncadd.s32 $0xFFFFF9C0  }
0x59: {  	_ =	swait.ge [sflag:s8], $0xC800  }
0x5a: {  	[sflag:s8] =	ssyncset.done $0x0  }
0x5b: {  	[sflag:s8] =	ssyncadd.s32 $0xFFFF3800  }
0x5c: {  	[tilespmem:s7], [sflag:$0x3] =	stream.indirect.gather [hbm4b:s3+s11], $0x20, s2, s11, $0xb8;
	[tilespmem:$0x19C80] =	vst v63  }
0x5d: {  	_ =	swait.ge [sflag:s13], $0xC800  }
0x5e: {  	[sflag:s13] =	ssyncset.done $0x0  }
0x5f: {  	s0 =	rddreg [dreg:$0xb];
	[sflag:s13] =	ssyncadd.s32 $0xFFFF3800  }
0x60: {  	[hbm4b:s0+s2] =	stream.linear.scatter [tilespmem:s9], [sflag:$0x6], $0xC800, $0x38;
	[tilespmem:$0x19C80] =	vst v63  }
0x61: {  	s1 =	rddreg [dreg:$0xc]  }
0x62: {  	[tilespmem:s11], [sflag:$0x2] =	stream.linear.gather [hbm4b:s1+s2], $0x640, $0x38;
	[tilespmem:$0x19C80] =	vst v63  }
0x63: {  	_ =	swait.ge [sflag:s17], $0x640  }
0x64: {  	[sflag:s17] =	ssyncset.done $0x0  }
0x65: {  	[sflag:s17] =	ssyncadd.s32 $0xFFFFF9C0  }
0x66: {  	_ =	swait.ge [sflag:s31], $0xC800  }
0x67: {  	[sflag:s31] =	ssyncset.done $0x0  }
0x68: {  	[sflag:s31] =	ssyncadd.s32 $0xFFFF3800  }
0x69: {  	[tilespmem:s9], [sflag:$0x4] =	stream.indirect.gather [hbm4b:s3+s11], $0x20, s11, s11, $0xb8;
	[tilespmem:$0x19C80] =	vst v63  }
0x6a: {  	_ =	swait.ge [sflag:s14], $0xC800  }
0x6b: {  	[sflag:s14] =	ssyncset.done $0x0  }
0x6c: {  	s0 =	rddreg [dreg:$0xd];
	[sflag:s14] =	ssyncadd.s32 $0xFFFF3800  }
0x6d: {  	[hbm4b:s0+s2] =	stream.linear.scatter [tilespmem:s7], [sflag:$0x5], $0xC800, $0x38;
	[tilespmem:$0x19C80] =	vst v63  }
0x6e: {  	s1 =	rddreg [dreg:$0xe]  }
0x6f: {  	[tilespmem:s2], [sflag:$0x1] =	stream.linear.gather [hbm4b:s1+s2], $0x640, $0x38;
	[tilespmem:$0x19C80] =	vst v63  }
0x70: {  	_ =	swait.ge [sflag:s19], $0x640  }
0x71: {  	[sflag:s19] =	ssyncset.done $0x0  }
0x72: {  	[sflag:s19] =	ssyncadd.s32 $0xFFFFF9C0  }
0x73: {  	_ =	swait.ge [sflag:s8], $0xC800  }
0x74: {  	[sflag:s8] =	ssyncset.done $0x0  }
0x75: {  	[sflag:s8] =	ssyncadd.s32 $0xFFFF3800  }
0x76: {  	[tilespmem:s7], [sflag:$0x3] =	stream.indirect.gather [hbm4b:s3+s11], $0x20, s2, s11, $0xb8;
	[tilespmem:$0x19C80] =	vst v63  }
0x77: {  	_ =	swait.ge [sflag:s13], $0xC800  }
0x78: {  	[sflag:s13] =	ssyncset.done $0x0  }
0x79: {  	s0 =	rddreg [dreg:$0xf];
	[sflag:s13] =	ssyncadd.s32 $0xFFFF3800  }
0x7a: {  	[hbm4b:s0+s2] =	stream.linear.scatter [tilespmem:s9], [sflag:$0x6], $0xC800, $0x38;
	[tilespmem:$0x19C80] =	vst v63  }
0x7b: {  	s1 =	rddreg [dreg:$0x10]  }
0x7c: {  	[tilespmem:s11], [sflag:$0x2] =	stream.linear.gather [hbm4b:s1+s2], $0x640, $0x38;
	[tilespmem:$0x19C80] =	vst v63  }
0x7d: {  	_ =	swait.ge [sflag:s17], $0x640  }
0x7e: {  	[sflag:s17] =	ssyncset.done $0x0  }
0x7f: {  	[sflag:s17] =	ssyncadd.s32 $0xFFFFF9C0  }
0x80: {  	_ =	swait.ge [sflag:s31], $0xC800  }
0x81: {  	[sflag:s31] =	ssyncset.done $0x0  }
0x82: {  	[sflag:s31] =	ssyncadd.s32 $0xFFFF3800  }
0x83: {  	[tilespmem:s9], [sflag:$0x4] =	stream.indirect.gather [hbm4b:s3+s11], $0x20, s11, s11, $0xb8;
	[tilespmem:$0x19C80] =	vst v63  }
0x84: {  	_ =	swait.ge [sflag:s14], $0xC800  }
0x85: {  	[sflag:s14] =	ssyncset.done $0x0  }
0x86: {  	[sflag:s14] =	ssyncadd.s32 $0xFFFF3800  }
0x87: {  	[hbm4b:s30+s2] =	stream.linear.scatter [tilespmem:s7], [sflag:$0x5], $0xC800, $0x38;
	[tilespmem:$0x19C80] =	vst v63  }
0x88: {  	_ = 	snop  }
0x89: {  	[tilespmem:s2], [sflag:$0x1] =	stream.linear.gather [hbm4b:s4+s2], $0x640, $0x38;
	[tilespmem:$0x19C80] =	vst v63  }
0x8a: {  	_ =	swait.ge [sflag:s19], $0x640  }
0x8b: {  	[sflag:s19] =	ssyncset.done $0x0  }
0x8c: {  	[sflag:s19] =	ssyncadd.s32 $0xFFFFF9C0  }
0x8d: {  	_ =	swait.ge [sflag:s8], $0xC800  }
0x8e: {  	[sflag:s8] =	ssyncset.done $0x0  }
0x8f: {  	[sflag:s8] =	ssyncadd.s32 $0xFFFF3800  }
0x90: {  	[tilespmem:s7], [sflag:$0x3] =	stream.indirect.gather [hbm4b:s3+s11], $0x20, s2, s11, $0xb8;
	[tilespmem:$0x19C80] =	vst v63  }
0x91: {  	_ =	swait.ge [sflag:s13], $0xC800  }
0x92: {  	[sflag:s13] =	ssyncset.done $0x0  }
0x93: {  	[sflag:s13] =	ssyncadd.s32 $0xFFFF3800  }
0x94: {  	[hbm4b:s28+s2] =	stream.linear.scatter [tilespmem:s9], [sflag:$0x6], $0xC800, $0x38;
	[tilespmem:$0x19C80] =	vst v63  }
0x95: {  	_ = 	snop  }
0x96: {  	[tilespmem:s11], [sflag:$0x2] =	stream.linear.gather [hbm4b:s29+s2], $0x640, $0x38;
	[tilespmem:$0x19C80] =	vst v63  }
0x97: {  	_ =	swait.ge [sflag:s17], $0x640  }
0x98: {  	[sflag:s17] =	ssyncset.done $0x0  }
0x99: {  	[sflag:s17] =	ssyncadd.s32 $0xFFFFF9C0  }
0x9a: {  	_ =	swait.ge [sflag:s31], $0xC800  }
0x9b: {  	[sflag:s31] =	ssyncset.done $0x0  }
0x9c: {  	[sflag:s31] =	ssyncadd.s32 $0xFFFF3800  }
0x9d: {  	[tilespmem:s9], [sflag:$0x4] =	stream.indirect.gather [hbm4b:s3+s11], $0x20, s11, s11, $0xb8;
	[tilespmem:$0x19C80] =	vst v63  }
0x9e: {  	_ =	swait.ge [sflag:s14], $0xC800  }
0x9f: {  	[sflag:s14] =	ssyncset.done $0x0  }
0xa0: {  	[sflag:s14] =	ssyncadd.s32 $0xFFFF3800  }
0xa1: {  	[hbm4b:s25+s2] =	stream.linear.scatter [tilespmem:s7], [sflag:$0x5], $0xC800, $0x38;
	[tilespmem:$0x19C80] =	vst v63  }
0xa2: {  	_ = 	snop  }
0xa3: {  	[tilespmem:s2], [sflag:$0x1] =	stream.linear.gather [hbm4b:s26+s2], $0x640, $0x38;
	[tilespmem:$0x19C80] =	vst v63  }
0xa4: {  	_ =	swait.ge [sflag:s19], $0x640  }
0xa5: {  	[sflag:s19] =	ssyncset.done $0x0  }
0xa6: {  	[sflag:s19] =	ssyncadd.s32 $0xFFFFF9C0  }
0xa7: {  	_ =	swait.ge [sflag:s8], $0xC800  }
0xa8: {  	[sflag:s8] =	ssyncset.done $0x0  }
0xa9: {  	[sflag:s8] =	ssyncadd.s32 $0xFFFF3800  }
0xaa: {  	[tilespmem:s7], [sflag:$0x3] =	stream.indirect.gather [hbm4b:s3+s11], $0x20, s2, s11, $0xb8;
	[tilespmem:$0x19C80] =	vst v63  }
0xab: {  	_ =	swait.ge [sflag:s13], $0xC800  }
0xac: {  	[sflag:s13] =	ssyncset.done $0x0  }
0xad: {  	[sflag:s13] =	ssyncadd.s32 $0xFFFF3800  }
0xae: {  	[hbm4b:s23+s2] =	stream.linear.scatter [tilespmem:s9], [sflag:$0x6], $0xC800, $0x38;
	[tilespmem:$0x19C80] =	vst v63  }
0xaf: {  	_ = 	snop  }
0xb0: {  	[tilespmem:s11], [sflag:$0x2] =	stream.linear.gather [hbm4b:s24+s2], $0x640, $0x38;
	[tilespmem:$0x19C80] =	vst v63  }
0xb1: {  	_ =	swait.ge [sflag:s17], $0x640  }
0xb2: {  	[sflag:s17] =	ssyncset.done $0x0  }
0xb3: {  	[sflag:s17] =	ssyncadd.s32 $0xFFFFF9C0  }
0xb4: {  	_ =	swait.ge [sflag:s31], $0xC800  }
0xb5: {  	[sflag:s31] =	ssyncset.done $0x0  }
0xb6: {  	[sflag:s31] =	ssyncadd.s32 $0xFFFF3800  }
0xb7: {  	[tilespmem:s9], [sflag:$0x4] =	stream.indirect.gather [hbm4b:s3+s11], $0x20, s11, s11, $0xb8;
	[tilespmem:$0x19C80] =	vst v63  }
0xb8: {  	_ =	swait.ge [sflag:s14], $0xC800  }
0xb9: {  	[sflag:s14] =	ssyncset.done $0x0  }
0xba: {  	[sflag:s14] =	ssyncadd.s32 $0xFFFF3800  }
0xbb: {  	[hbm4b:s21+s2] =	stream.linear.scatter [tilespmem:s7], [sflag:$0x5], $0xC800, $0x38;
	[tilespmem:$0x19C80] =	vst v63  }
0xbc: {  	_ = 	snop  }
0xbd: {  	[tilespmem:s2], [sflag:$0x1] =	stream.linear.gather [hbm4b:s22+s2], $0x640, $0x38;
	[tilespmem:$0x19C80] =	vst v63  }
0xbe: {  	_ =	swait.ge [sflag:s19], $0x640  }
0xbf: {  	[sflag:s19] =	ssyncset.done $0x0  }
0xc0: {  	[sflag:s19] =	ssyncadd.s32 $0xFFFFF9C0  }
0xc1: {  	_ =	swait.ge [sflag:s8], $0xC800  }
0xc2: {  	[sflag:s8] =	ssyncset.done $0x0  }
0xc3: {  	[sflag:s8] =	ssyncadd.s32 $0xFFFF3800  }
0xc4: {  	[tilespmem:s7], [sflag:$0x3] =	stream.indirect.gather [hbm4b:s3+s11], $0x20, s2, s11, $0xb8;
	[tilespmem:$0x19C80] =	vst v63  }
0xc5: {  	_ =	swait.ge [sflag:s13], $0xC800  }
0xc6: {  	[sflag:s13] =	ssyncset.done $0x0  }
0xc7: {  	s1 =	rddreg [dreg:$0x12];
	[sflag:s13] =	ssyncadd.s32 $0xFFFF3800  }
0xc8: {  	[hbm4b:s1+s2] =	stream.linear.scatter [tilespmem:s9], [sflag:$0x6], $0xC800, $0x38;
	[tilespmem:$0x19C80] =	vst v63  }
0xc9: {  	_ = 	snop  }
0xca: {  	[tilespmem:s11], [sflag:$0x2] =	stream.linear.gather [hbm4b:s20+s2], $0x640, $0x38;
	[tilespmem:$0x19C80] =	vst v63  }
0xcb: {  	_ =	swait.ge [sflag:s17], $0x640  }
0xcc: {  	[sflag:s17] =	ssyncset.done $0x0  }
0xcd: {  	[sflag:s17] =	ssyncadd.s32 $0xFFFFF9C0  }
0xce: {  	_ =	swait.ge [sflag:s31], $0xC800  }
0xcf: {  	[sflag:s31] =	ssyncset.done $0x0  }
0xd0: {  	[sflag:s31] =	ssyncadd.s32 $0xFFFF3800  }
0xd1: {  	[tilespmem:s9], [sflag:$0x4] =	stream.indirect.gather [hbm4b:s3+s11], $0x20, s11, s11, $0xb8;
	[tilespmem:$0x19C80] =	vst v63  }
0xd2: {  	_ =	swait.ge [sflag:s14], $0xC800  }
0xd3: {  	[sflag:s14] =	ssyncset.done $0x0  }
0xd4: {  	[sflag:s14] =	ssyncadd.s32 $0xFFFF3800  }
0xd5: {  	[hbm4b:s16+s2] =	stream.linear.scatter [tilespmem:s7], [sflag:$0x5], $0xC800, $0x38;
	[tilespmem:$0x19C80] =	vst v63  }
0xd6: {  	_ = 	snop  }
0xd7: {  	[tilespmem:s2], [sflag:$0x1] =	stream.linear.gather [hbm4b:s18+s2], $0x640, $0x38;
	[tilespmem:$0x19C80] =	vst v63  }
0xd8: {  	_ =	swait.ge [sflag:s19], $0x640  }
0xd9: {  	[sflag:s19] =	ssyncset.done $0x0  }
0xda: {  	[sflag:s19] =	ssyncadd.s32 $0xFFFFF9C0  }
0xdb: {  	_ =	swait.ge [sflag:s8], $0xC800  }
0xdc: {  	[sflag:s8] =	ssyncset.done $0x0  }
0xdd: {  	[sflag:s8] =	ssyncadd.s32 $0xFFFF3800  }
0xde: {  	[tilespmem:s7], [sflag:$0x3] =	stream.indirect.gather [hbm4b:s3+s11], $0x20, s2, s11, $0xb8;
	[tilespmem:$0x19C80] =	vst v63  }
0xdf: {  	_ =	swait.ge [sflag:s13], $0xC800  }
0xe0: {  	[sflag:s13] =	ssyncset.done $0x0  }
0xe1: {  	[sflag:s13] =	ssyncadd.s32 $0xFFFF3800  }
0xe2: {  	[hbm4b:s12+s2] =	stream.linear.scatter [tilespmem:s9], [sflag:$0x6], $0xC800, $0x38;
	[tilespmem:$0x19C80] =	vst v63  }
0xe3: {  	_ = 	snop  }
0xe4: {  	[tilespmem:s11], [sflag:$0x2] =	stream.linear.gather [hbm4b:s15+s2], $0x640, $0x38;
	[tilespmem:$0x19C80] =	vst v63  }
0xe5: {  	_ =	swait.ge [sflag:s17], $0x640  }
0xe6: {  	[sflag:s17] =	ssyncset.done $0x0  }
0xe7: {  	[sflag:s17] =	ssyncadd.s32 $0xFFFFF9C0  }
0xe8: {  	_ =	swait.ge [sflag:s31], $0xC800  }
0xe9: {  	[sflag:s31] =	ssyncset.done $0x0  }
0xea: {  	[sflag:s31] =	ssyncadd.s32 $0xFFFF3800  }
0xeb: {  	[tilespmem:s9], [sflag:$0x4] =	stream.indirect.gather [hbm4b:s3+s11], $0x20, s11, s11, $0xb8;
	[tilespmem:$0x19C80] =	vst v63  }
0xec: {  	_ =	swait.ge [sflag:s14], $0xC800  }
0xed: {  	[sflag:s14] =	ssyncset.done $0x0  }
0xee: {  	[sflag:s14] =	ssyncadd.s32 $0xFFFF3800  }
0xef: {  	[hbm4b:s10+s2] =	stream.linear.scatter [tilespmem:s7], [sflag:$0x5], $0xC800, $0x38;
	[tilespmem:$0x19C80] =	vst v63  }
0xf0: {  	_ =	swait.ge [sflag:s13], $0xC800  }
0xf1: {  	[sflag:s13] =	ssyncset.done $0x0  }
0xf2: {  	p1 =	sne.s32 s6, $0x1;
	[sflag:s13] =	ssyncadd.s32 $0xFFFF3800  }
0xf3: {  	[hbm4b:s5+s2] =	stream.linear.scatter [tilespmem:s9], [sflag:$0x6], $0xC800, $0x38;
	[tilespmem:$0x19C80] =	vst v63  }
.Ltmp1:
0xf4: {  	_ =	swait.ge [sflag:s8], $0xC800;
	(pc) =	sbr.rel @!p1 .LBB2_3-.Ltmp1, $4  }
0xf5: {  	[sflag:s8] =	ssyncset.done $0x0  }
0xf6: {  	[sflag:s8] =	ssyncadd.s32 $0xFFFF3800  }
0xf7: {  	p0 =	por $0x1, $0x1;
	_ =	swait.ge [sflag:s31], $0xC800;
	[dreg:$0x11] =	wrdreg s4  }
0xf8: {  	s1 =	sadd.s32 $0xFFFFFFFF, s6;
	s0 =	rddreg [dreg:$0x3];
	[sflag:s31] =	ssyncset.done $0x0  }
.LBB2_2:
0xf9: {  	[sflag:s31] =	ssyncadd.s32 $0xFFFF3800  }
0xfa: {  	[tilespmem:s2], [sflag:$0x1] =	stream.linear.gather [hbm4b:s0+s2], $0x640, $0x38;
	[tilespmem:$0x19C80] =	vst v63  }
0xfb: {  	_ =	swait.ge [sflag:s19], $0x640  }
0xfc: {  	[sflag:s19] =	ssyncset.done $0x0  }
0xfd: {  	[sflag:s19] =	ssyncadd.s32 $0xFFFFF9C0  }
0xfe: {  	[tilespmem:s7], [sflag:$0x3] =	stream.indirect.gather [hbm4b:s3+s11], $0x20, s2, s11, $0xb8;
	[tilespmem:$0x19C80] =	vst v63  }
0xff: {  	s6 =	rddreg [dreg:$0x4]  }
0x100: {  	[tilespmem:s11], [sflag:$0x2] =	stream.linear.gather [hbm4b:s6+s2], $0x640, $0x38;
	[tilespmem:$0x19C80] =	vst v63  }
0x101: {  	_ =	swait.ge [sflag:s17], $0x640  }
0x102: {  	[sflag:s17] =	ssyncset.done $0x0  }
0x103: {  	[sflag:s17] =	ssyncadd.s32 $0xFFFFF9C0  }
0x104: {  	[tilespmem:s9], [sflag:$0x4] =	stream.indirect.gather [hbm4b:s3+s11], $0x20, s11, s11, $0xb8;
	[tilespmem:$0x19C80] =	vst v63  }
0x105: {  	_ =	swait.ge [sflag:s14], $0xC800  }
0x106: {  	[sflag:s14] =	ssyncset.done $0x0  }
0x107: {  	s9 =	simm.s32 $0xC80;
	s0 =	rddreg [dreg:$0x5];
	[sflag:s14] =	ssyncadd.s32 $0xFFFF3800  }
0x108: {  	[hbm4b:s0+s2] =	stream.linear.scatter [tilespmem:s9], [sflag:$0x5], $0xC800, $0x38;
	[tilespmem:$0x19C80] =	vst v63  }
0x109: {  	s4 =	rddreg [dreg:$0x6]  }
0x10a: {  	[tilespmem:s2], [sflag:$0x1] =	stream.linear.gather [hbm4b:s4+s2], $0x640, $0x38;
	[tilespmem:$0x19C80] =	vst v63  }
0x10b: {  	_ =	swait.ge [sflag:s19], $0x640  }
0x10c: {  	[sflag:s19] =	ssyncset.done $0x0  }
0x10d: {  	[sflag:s19] =	ssyncadd.s32 $0xFFFFF9C0  }
0x10e: {  	_ =	swait.ge [sflag:s8], $0xC800  }
0x10f: {  	[sflag:s8] =	ssyncset.done $0x0  }
0x110: {  	s7 =	smov.u32 s30;
	s30 =	smov.u32 s29;
	[sflag:s8] =	ssyncadd.s32 $0xFFFF3800  }
0x111: {  	[tilespmem:s9], [sflag:$0x3] =	stream.indirect.gather [hbm4b:s3+s11], $0x20, s2, s11, $0xb8;
	[tilespmem:$0x19C80] =	vst v63  }
0x112: {  	s29 =	smov.u32 s28;
	s28 =	smov.u32 s26;
	_ =	swait.ge [sflag:s13], $0xC800  }
0x113: {  	s26 =	smov.u32 s25;
	s25 =	smov.u32 s24;
	[sflag:s13] =	ssyncset.done $0x0  }
0x114: {  	s6 =	simm.s32 $0xD480;
	s4 =	rddreg [dreg:$0x7];
	[sflag:s13] =	ssyncadd.s32 $0xFFFF3800  }
0x115: {  	[hbm4b:s4+s2] =	stream.linear.scatter [tilespmem:s6], [sflag:$0x6], $0xC800, $0x38;
	[tilespmem:$0x19C80] =	vst v63  }
0x116: {  	s24 =	smov.u32 s23;
	s23 =	smov.u32 s22;
	s22 =	rddreg [dreg:$0x8]  }
0x117: {  	[tilespmem:s11], [sflag:$0x2] =	stream.linear.gather [hbm4b:s22+s2], $0x640, $0x38;
	[tilespmem:$0x19C80] =	vst v63  }
0x118: {  	_ =	swait.ge [sflag:s17], $0x640  }
0x119: {  	[sflag:s17] =	ssyncset.done $0x0  }
0x11a: {  	[sflag:s17] =	ssyncadd.s32 $0xFFFFF9C0  }
0x11b: {  	_ =	swait.ge [sflag:s31], $0xC800  }
0x11c: {  	[sflag:s31] =	ssyncset.done $0x0  }
0x11d: {  	[sflag:s31] =	ssyncadd.s32 $0xFFFF3800  }
0x11e: {  	[tilespmem:s6], [sflag:$0x4] =	stream.indirect.gather [hbm4b:s3+s11], $0x20, s11, s11, $0xb8;
	[tilespmem:$0x19C80] =	vst v63  }
0x11f: {  	_ =	swait.ge [sflag:s14], $0xC800  }
0x120: {  	[sflag:s14] =	ssyncset.done $0x0  }
0x121: {  	s4 =	rddreg [dreg:$0x9];
	[sflag:s14] =	ssyncadd.s32 $0xFFFF3800  }
0x122: {  	[hbm4b:s4+s2] =	stream.linear.scatter [tilespmem:s9], [sflag:$0x5], $0xC800, $0x38;
	[tilespmem:$0x19C80] =	vst v63  }
0x123: {  	s22 =	rddreg [dreg:$0xa]  }
0x124: {  	[tilespmem:s2], [sflag:$0x1] =	stream.linear.gather [hbm4b:s22+s2], $0x640, $0x38;
	[tilespmem:$0x19C80] =	vst v63  }
0x125: {  	_ =	swait.ge [sflag:s19], $0x640  }
0x126: {  	[sflag:s19] =	ssyncset.done $0x0  }
0x127: {  	[sflag:s19] =	ssyncadd.s32 $0xFFFFF9C0  }
0x128: {  	_ =	swait.ge [sflag:s8], $0xC800  }
0x129: {  	[sflag:s8] =	ssyncset.done $0x0  }
0x12a: {  	[sflag:s8] =	ssyncadd.s32 $0xFFFF3800  }
0x12b: {  	[tilespmem:s9], [sflag:$0x3] =	stream.indirect.gather [hbm4b:s3+s11], $0x20, s2, s11, $0xb8;
	[tilespmem:$0x19C80] =	vst v63  }
0x12c: {  	_ =	swait.ge [sflag:s13], $0xC800  }
0x12d: {  	[sflag:s13] =	ssyncset.done $0x0  }
0x12e: {  	s4 =	rddreg [dreg:$0xb];
	[sflag:s13] =	ssyncadd.s32 $0xFFFF3800  }
0x12f: {  	[hbm4b:s4+s2] =	stream.linear.scatter [tilespmem:s6], [sflag:$0x6], $0xC800, $0x38;
	[tilespmem:$0x19C80] =	vst v63  }
0x130: {  	s22 =	rddreg [dreg:$0xc]  }
0x131: {  	[tilespmem:s11], [sflag:$0x2] =	stream.linear.gather [hbm4b:s22+s2], $0x640, $0x38;
	[tilespmem:$0x19C80] =	vst v63  }
0x132: {  	_ =	swait.ge [sflag:s17], $0x640  }
0x133: {  	[sflag:s17] =	ssyncset.done $0x0  }
0x134: {  	[sflag:s17] =	ssyncadd.s32 $0xFFFFF9C0  }
0x135: {  	_ =	swait.ge [sflag:s31], $0xC800  }
0x136: {  	[sflag:s31] =	ssyncset.done $0x0  }
0x137: {  	[sflag:s31] =	ssyncadd.s32 $0xFFFF3800  }
0x138: {  	[tilespmem:s6], [sflag:$0x4] =	stream.indirect.gather [hbm4b:s3+s11], $0x20, s11, s11, $0xb8;
	[tilespmem:$0x19C80] =	vst v63  }
0x139: {  	_ =	swait.ge [sflag:s14], $0xC800  }
0x13a: {  	[sflag:s14] =	ssyncset.done $0x0  }
0x13b: {  	s6 =	rddreg [dreg:$0xd];
	[sflag:s14] =	ssyncadd.s32 $0xFFFF3800  }
0x13c: {  	[hbm4b:s6+s2] =	stream.linear.scatter [tilespmem:s9], [sflag:$0x5], $0xC800, $0x38;
	[tilespmem:$0x19C80] =	vst v63  }
0x13d: {  	s22 =	rddreg [dreg:$0xe]  }
0x13e: {  	[tilespmem:s2], [sflag:$0x1] =	stream.linear.gather [hbm4b:s22+s2], $0x640, $0x38;
	[tilespmem:$0x19C80] =	vst v63  }
0x13f: {  	_ =	swait.ge [sflag:s19], $0x640  }
0x140: {  	[sflag:s19] =	ssyncset.done $0x0  }
0x141: {  	[sflag:s19] =	ssyncadd.s32 $0xFFFFF9C0  }
0x142: {  	_ =	swait.ge [sflag:s8], $0xC800  }
0x143: {  	[sflag:s8] =	ssyncset.done $0x0  }
0x144: {  	[sflag:s8] =	ssyncadd.s32 $0xFFFF3800  }
0x145: {  	[tilespmem:s9], [sflag:$0x3] =	stream.indirect.gather [hbm4b:s3+s11], $0x20, s2, s11, $0xb8;
	[tilespmem:$0x19C80] =	vst v63  }
0x146: {  	_ =	swait.ge [sflag:s13], $0xC800  }
0x147: {  	s4 =	rddreg [dreg:$0xf];
	[sflag:s13] =	ssyncset.done $0x0  }
0x148: {  	s9 =	simm.s32 $0xD480;
	s6 =	rddreg [dreg:$0x10];
	[sflag:s13] =	ssyncadd.s32 $0xFFFF3800  }
0x149: {  	[hbm4b:s4+s2] =	stream.linear.scatter [tilespmem:s9], [sflag:$0x6], $0xC800, $0x38;
	[tilespmem:$0x19C80] =	vst v63  }
0x14a: {  	s0 =	smov.u32 s5;
	s5 =	smov.u32 s10;
	s10 =	rddreg [dreg:$0x12]  }
0x14b: {  	[tilespmem:s11], [sflag:$0x2] =	stream.linear.gather [hbm4b:s6+s2], $0x640, $0x38;
	[tilespmem:$0x19C80] =	vst v63  }
0x14c: {  	s4 =	rddreg [dreg:$0x11];
	_ =	swait.ge [sflag:s17], $0x640  }
0x14d: {  	[sflag:s17] =	ssyncset.done $0x0  }
0x14e: {  	[sflag:s17] =	ssyncadd.s32 $0xFFFFF9C0  }
0x14f: {  	_ =	swait.ge [sflag:s31], $0xC800  }
0x150: {  	s22 =	smov.u32 s23;
	[sflag:s31] =	ssyncset.done $0x0  }
0x151: {  	s23 =	smov.u32 s24;
	s24 =	smov.u32 s25;
	[sflag:s31] =	ssyncadd.s32 $0xFFFF3800  }
0x152: {  	[tilespmem:s9], [sflag:$0x4] =	stream.indirect.gather [hbm4b:s3+s11], $0x20, s11, s11, $0xb8;
	[tilespmem:$0x19C80] =	vst v63  }
0x153: {  	s25 =	smov.u32 s26;
	s26 =	smov.u32 s28;
	_ =	swait.ge [sflag:s14], $0xC800  }
0x154: {  	s28 =	smov.u32 s29;
	s29 =	smov.u32 s30;
	[sflag:s14] =	ssyncset.done $0x0  }
0x155: {  	s30 =	smov.u32 s7;
	s7 =	simm.s32 $0xC80;
	[sflag:s14] =	ssyncadd.s32 $0xFFFF3800  }
0x156: {  	[hbm4b:s30+s2] =	stream.linear.scatter [tilespmem:s7], [sflag:$0x5], $0xC800, $0x38;
	[tilespmem:$0x19C80] =	vst v63  }
0x157: {  	_ = 	snop  }
0x158: {  	[tilespmem:s2], [sflag:$0x1] =	stream.linear.gather [hbm4b:s4+s2], $0x640, $0x38;
	[tilespmem:$0x19C80] =	vst v63  }
0x159: {  	_ =	swait.ge [sflag:s19], $0x640  }
0x15a: {  	[sflag:s19] =	ssyncset.done $0x0  }
0x15b: {  	[sflag:s19] =	ssyncadd.s32 $0xFFFFF9C0  }
0x15c: {  	_ =	swait.ge [sflag:s8], $0xC800  }
0x15d: {  	[sflag:s8] =	ssyncset.done $0x0  }
0x15e: {  	[sflag:s8] =	ssyncadd.s32 $0xFFFF3800  }
0x15f: {  	[tilespmem:s7], [sflag:$0x3] =	stream.indirect.gather [hbm4b:s3+s11], $0x20, s2, s11, $0xb8;
	[tilespmem:$0x19C80] =	vst v63  }
0x160: {  	_ =	swait.ge [sflag:s13], $0xC800  }
0x161: {  	[sflag:s13] =	ssyncset.done $0x0  }
0x162: {  	[sflag:s13] =	ssyncadd.s32 $0xFFFF3800  }
0x163: {  	[hbm4b:s28+s2] =	stream.linear.scatter [tilespmem:s9], [sflag:$0x6], $0xC800, $0x38;
	[tilespmem:$0x19C80] =	vst v63  }
0x164: {  	_ = 	snop  }
0x165: {  	[tilespmem:s11], [sflag:$0x2] =	stream.linear.gather [hbm4b:s29+s2], $0x640, $0x38;
	[tilespmem:$0x19C80] =	vst v63  }
0x166: {  	_ =	swait.ge [sflag:s17], $0x640  }
0x167: {  	[sflag:s17] =	ssyncset.done $0x0  }
0x168: {  	[sflag:s17] =	ssyncadd.s32 $0xFFFFF9C0  }
0x169: {  	_ =	swait.ge [sflag:s31], $0xC800  }
0x16a: {  	[sflag:s31] =	ssyncset.done $0x0  }
0x16b: {  	[sflag:s31] =	ssyncadd.s32 $0xFFFF3800  }
0x16c: {  	[tilespmem:s9], [sflag:$0x4] =	stream.indirect.gather [hbm4b:s3+s11], $0x20, s11, s11, $0xb8;
	[tilespmem:$0x19C80] =	vst v63  }
0x16d: {  	_ =	swait.ge [sflag:s14], $0xC800  }
0x16e: {  	[sflag:s14] =	ssyncset.done $0x0  }
0x16f: {  	[sflag:s14] =	ssyncadd.s32 $0xFFFF3800  }
0x170: {  	[hbm4b:s25+s2] =	stream.linear.scatter [tilespmem:s7], [sflag:$0x5], $0xC800, $0x38;
	[tilespmem:$0x19C80] =	vst v63  }
0x171: {  	_ = 	snop  }
0x172: {  	[tilespmem:s2], [sflag:$0x1] =	stream.linear.gather [hbm4b:s26+s2], $0x640, $0x38;
	[tilespmem:$0x19C80] =	vst v63  }
0x173: {  	_ =	swait.ge [sflag:s19], $0x640  }
0x174: {  	[sflag:s19] =	ssyncset.done $0x0  }
0x175: {  	[sflag:s19] =	ssyncadd.s32 $0xFFFFF9C0  }
0x176: {  	_ =	swait.ge [sflag:s8], $0xC800  }
0x177: {  	[sflag:s8] =	ssyncset.done $0x0  }
0x178: {  	[sflag:s8] =	ssyncadd.s32 $0xFFFF3800  }
0x179: {  	[tilespmem:s7], [sflag:$0x3] =	stream.indirect.gather [hbm4b:s3+s11], $0x20, s2, s11, $0xb8;
	[tilespmem:$0x19C80] =	vst v63  }
0x17a: {  	_ =	swait.ge [sflag:s13], $0xC800  }
0x17b: {  	[sflag:s13] =	ssyncset.done $0x0  }
0x17c: {  	[sflag:s13] =	ssyncadd.s32 $0xFFFF3800  }
0x17d: {  	[hbm4b:s23+s2] =	stream.linear.scatter [tilespmem:s9], [sflag:$0x6], $0xC800, $0x38;
	[tilespmem:$0x19C80] =	vst v63  }
0x17e: {  	_ = 	snop  }
0x17f: {  	[tilespmem:s11], [sflag:$0x2] =	stream.linear.gather [hbm4b:s24+s2], $0x640, $0x38;
	[tilespmem:$0x19C80] =	vst v63  }
0x180: {  	_ =	swait.ge [sflag:s17], $0x640  }
0x181: {  	[sflag:s17] =	ssyncset.done $0x0  }
0x182: {  	[sflag:s17] =	ssyncadd.s32 $0xFFFFF9C0  }
0x183: {  	_ =	swait.ge [sflag:s31], $0xC800  }
0x184: {  	[sflag:s31] =	ssyncset.done $0x0  }
0x185: {  	[sflag:s31] =	ssyncadd.s32 $0xFFFF3800  }
0x186: {  	[tilespmem:s9], [sflag:$0x4] =	stream.indirect.gather [hbm4b:s3+s11], $0x20, s11, s11, $0xb8;
	[tilespmem:$0x19C80] =	vst v63  }
0x187: {  	_ =	swait.ge [sflag:s14], $0xC800  }
0x188: {  	[sflag:s14] =	ssyncset.done $0x0  }
0x189: {  	[sflag:s14] =	ssyncadd.s32 $0xFFFF3800  }
0x18a: {  	[hbm4b:s21+s2] =	stream.linear.scatter [tilespmem:s7], [sflag:$0x5], $0xC800, $0x38;
	[tilespmem:$0x19C80] =	vst v63  }
0x18b: {  	_ = 	snop  }
0x18c: {  	[tilespmem:s2], [sflag:$0x1] =	stream.linear.gather [hbm4b:s22+s2], $0x640, $0x38;
	[tilespmem:$0x19C80] =	vst v63  }
0x18d: {  	_ =	swait.ge [sflag:s19], $0x640  }
0x18e: {  	[sflag:s19] =	ssyncset.done $0x0  }
0x18f: {  	[sflag:s19] =	ssyncadd.s32 $0xFFFFF9C0  }
0x190: {  	_ =	swait.ge [sflag:s8], $0xC800  }
0x191: {  	[sflag:s8] =	ssyncset.done $0x0  }
0x192: {  	[sflag:s8] =	ssyncadd.s32 $0xFFFF3800  }
0x193: {  	[tilespmem:s7], [sflag:$0x3] =	stream.indirect.gather [hbm4b:s3+s11], $0x20, s2, s11, $0xb8;
	[tilespmem:$0x19C80] =	vst v63  }
0x194: {  	_ =	swait.ge [sflag:s13], $0xC800  }
0x195: {  	[sflag:s13] =	ssyncset.done $0x0  }
0x196: {  	[sflag:s13] =	ssyncadd.s32 $0xFFFF3800  }
0x197: {  	[hbm4b:s10+s2] =	stream.linear.scatter [tilespmem:s9], [sflag:$0x6], $0xC800, $0x38;
	[tilespmem:$0x19C80] =	vst v63  }
0x198: {  	_ = 	snop  }
0x199: {  	[tilespmem:s11], [sflag:$0x2] =	stream.linear.gather [hbm4b:s20+s2], $0x640, $0x38;
	[tilespmem:$0x19C80] =	vst v63  }
0x19a: {  	_ =	swait.ge [sflag:s17], $0x640  }
0x19b: {  	[sflag:s17] =	ssyncset.done $0x0  }
0x19c: {  	[sflag:s17] =	ssyncadd.s32 $0xFFFFF9C0  }
0x19d: {  	_ =	swait.ge [sflag:s31], $0xC800  }
0x19e: {  	[sflag:s31] =	ssyncset.done $0x0  }
0x19f: {  	[sflag:s31] =	ssyncadd.s32 $0xFFFF3800  }
0x1a0: {  	[tilespmem:s9], [sflag:$0x4] =	stream.indirect.gather [hbm4b:s3+s11], $0x20, s11, s11, $0xb8;
	[tilespmem:$0x19C80] =	vst v63  }
0x1a1: {  	_ =	swait.ge [sflag:s14], $0xC800  }
0x1a2: {  	[sflag:s14] =	ssyncset.done $0x0  }
0x1a3: {  	s6 =	smov.u32 s12;
	s12 =	smov.u32 s16;
	[sflag:s14] =	ssyncadd.s32 $0xFFFF3800  }
0x1a4: {  	[hbm4b:s12+s2] =	stream.linear.scatter [tilespmem:s7], [sflag:$0x5], $0xC800, $0x38;
	[tilespmem:$0x19C80] =	vst v63  }
0x1a5: {  	_ = 	snop  }
0x1a6: {  	[tilespmem:s2], [sflag:$0x1] =	stream.linear.gather [hbm4b:s18+s2], $0x640, $0x38;
	[tilespmem:$0x19C80] =	vst v63  }
0x1a7: {  	_ =	swait.ge [sflag:s19], $0x640  }
0x1a8: {  	[sflag:s19] =	ssyncset.done $0x0  }
0x1a9: {  	[sflag:s19] =	ssyncadd.s32 $0xFFFFF9C0  }
0x1aa: {  	_ =	swait.ge [sflag:s8], $0xC800  }
0x1ab: {  	[sflag:s8] =	ssyncset.done $0x0  }
0x1ac: {  	[sflag:s8] =	ssyncadd.s32 $0xFFFF3800  }
0x1ad: {  	[tilespmem:s7], [sflag:$0x3] =	stream.indirect.gather [hbm4b:s3+s11], $0x20, s2, s11, $0xb8;
	[tilespmem:$0x19C80] =	vst v63  }
0x1ae: {  	_ =	swait.ge [sflag:s13], $0xC800  }
0x1af: {  	[sflag:s13] =	ssyncset.done $0x0  }
0x1b0: {  	[sflag:s13] =	ssyncadd.s32 $0xFFFF3800  }
0x1b1: {  	[hbm4b:s6+s2] =	stream.linear.scatter [tilespmem:s9], [sflag:$0x6], $0xC800, $0x38;
	[tilespmem:$0x19C80] =	vst v63  }
0x1b2: {  	_ = 	snop  }
0x1b3: {  	[tilespmem:s11], [sflag:$0x2] =	stream.linear.gather [hbm4b:s15+s2], $0x640, $0x38;
	[tilespmem:$0x19C80] =	vst v63  }
0x1b4: {  	_ =	swait.ge [sflag:s17], $0x640  }
0x1b5: {  	[sflag:s17] =	ssyncset.done $0x0  }
0x1b6: {  	[sflag:s17] =	ssyncadd.s32 $0xFFFFF9C0  }
0x1b7: {  	_ =	swait.ge [sflag:s31], $0xC800  }
0x1b8: {  	[sflag:s31] =	ssyncset.done $0x0  }
0x1b9: {  	[sflag:s31] =	ssyncadd.s32 $0xFFFF3800  }
0x1ba: {  	[tilespmem:s9], [sflag:$0x4] =	stream.indirect.gather [hbm4b:s3+s11], $0x20, s11, s11, $0xb8;
	[tilespmem:$0x19C80] =	vst v63  }
0x1bb: {  	_ =	swait.ge [sflag:s14], $0xC800  }
0x1bc: {  	[sflag:s14] =	ssyncset.done $0x0  }
0x1bd: {  	[sflag:s14] =	ssyncadd.s32 $0xFFFF3800  }
0x1be: {  	[hbm4b:s5+s2] =	stream.linear.scatter [tilespmem:s7], [sflag:$0x5], $0xC800, $0x38;
	[tilespmem:$0x19C80] =	vst v63  }
0x1bf: {  	_ =	swait.ge [sflag:s13], $0xC800  }
0x1c0: {  	[sflag:s13] =	ssyncset.done $0x0  }
0x1c1: {  	p1 =	sne.s32 s1, $0x1;
	[sflag:s13] =	ssyncadd.s32 $0xFFFF3800  }
0x1c2: {  	[hbm4b:s0+s2] =	stream.linear.scatter [tilespmem:s9], [sflag:$0x6], $0xC800, $0x38;
	[tilespmem:$0x19C80] =	vst v63  }
.Ltmp2:
0x1c3: {  	_ =	swait.ge [sflag:s8], $0xC800;
	(pc) =	sbr.rel @p1 .LBB2_2-.Ltmp2, $4  }
0x1c4: {  	[sflag:s8] =	ssyncset.done $0x0  }
0x1c5: {  	s1 =	sadd.s32 $0xFFFFFFFF, s1;
	s16 =	smov.u32 s12;
	[sflag:s8] =	ssyncadd.s32 $0xFFFF3800  }
0x1c6: {  	s10 =	smov.u32 s5;
	s12 =	smov.u32 s6;
	_ =	swait.ge [sflag:s31], $0xC800  }
0x1c7: {  	s5 =	smov.u32 s0;
	s0 =	rddreg [dreg:$0x3];
	[sflag:s31] =	ssyncset.done $0x0  }
.LBB2_3:
0x1c8: {  	[sflag:s31] =	ssyncadd.s32 @p0 $0xFFFF3800  }
0x1c9: {  	[tilespmem:s2], [sflag:$0x1] =	stream.linear.gather [hbm4b:s0+s2], $0x640, $0x38;
	[tilespmem:$0x19C80] =	vst v63  }
0x1ca: {  	_ =	swait.ge [sflag:s19], $0x640  }
0x1cb: {  	[sflag:s19] =	ssyncset.done $0x0  }
0x1cc: {  	[sflag:s19] =	ssyncadd.s32 $0xFFFFF9C0  }
0x1cd: {  	[tilespmem:s7], [sflag:$0x3] =	stream.indirect.gather [hbm4b:s3+s11], $0x20, s2, s11, $0xb8;
	[tilespmem:$0x19C80] =	vst v63  }
0x1ce: {  	s1 =	rddreg [dreg:$0x4]  }
0x1cf: {  	[tilespmem:s11], [sflag:$0x2] =	stream.linear.gather [hbm4b:s1+s2], $0x640, $0x38;
	[tilespmem:$0x19C80] =	vst v63  }
0x1d0: {  	_ =	swait.ge [sflag:s17], $0x640  }
0x1d1: {  	[sflag:s17] =	ssyncset.done $0x0  }
0x1d2: {  	[sflag:s17] =	ssyncadd.s32 $0xFFFFF9C0  }
0x1d3: {  	[tilespmem:s9], [sflag:$0x4] =	stream.indirect.gather [hbm4b:s3+s11], $0x20, s11, s11, $0xb8;
	[tilespmem:$0x19C80] =	vst v63  }
0x1d4: {  	_ =	swait.ge [sflag:s14], $0xC800  }
0x1d5: {  	[sflag:s14] =	ssyncset.done $0x0  }
0x1d6: {  	s6 =	rddreg [dreg:$0x5];
	[sflag:s14] =	ssyncadd.s32 $0xFFFF3800  }
0x1d7: {  	[hbm4b:s6+s2] =	stream.linear.scatter [tilespmem:s7], [sflag:$0x5], $0xC800, $0x38;
	[tilespmem:$0x19C80] =	vst v63  }
0x1d8: {  	s1 =	rddreg [dreg:$0x6]  }
0x1d9: {  	[tilespmem:s2], [sflag:$0x1] =	stream.linear.gather [hbm4b:s1+s2], $0x640, $0x38;
	[tilespmem:$0x19C80] =	vst v63  }
0x1da: {  	_ =	swait.ge [sflag:s19], $0x640  }
0x1db: {  	[sflag:s19] =	ssyncset.done $0x0  }
0x1dc: {  	[sflag:s19] =	ssyncadd.s32 $0xFFFFF9C0  }
0x1dd: {  	_ =	swait.ge [sflag:s8], $0xC800  }
0x1de: {  	[sflag:s8] =	ssyncset.done $0x0  }
0x1df: {  	[sflag:s8] =	ssyncadd.s32 $0xFFFF3800  }
0x1e0: {  	[tilespmem:s7], [sflag:$0x3] =	stream.indirect.gather [hbm4b:s3+s11], $0x20, s2, s11, $0xb8;
	[tilespmem:$0x19C80] =	vst v63  }
0x1e1: {  	_ =	swait.ge [sflag:s13], $0xC800  }
0x1e2: {  	[sflag:s13] =	ssyncset.done $0x0  }
0x1e3: {  	s1 =	rddreg [dreg:$0x7];
	[sflag:s13] =	ssyncadd.s32 $0xFFFF3800  }
0x1e4: {  	[hbm4b:s1+s2] =	stream.linear.scatter [tilespmem:s9], [sflag:$0x6], $0xC800, $0x38;
	[tilespmem:$0x19C80] =	vst v63  }
0x1e5: {  	s6 =	rddreg [dreg:$0x8]  }
0x1e6: {  	[tilespmem:s11], [sflag:$0x2] =	stream.linear.gather [hbm4b:s6+s2], $0x640, $0x38;
	[tilespmem:$0x19C80] =	vst v63  }
0x1e7: {  	_ =	swait.ge [sflag:s17], $0x640  }
0x1e8: {  	[sflag:s17] =	ssyncset.done $0x0  }
0x1e9: {  	[sflag:s17] =	ssyncadd.s32 $0xFFFFF9C0  }
0x1ea: {  	_ =	swait.ge [sflag:s31], $0xC800  }
0x1eb: {  	[sflag:s31] =	ssyncset.done $0x0  }
0x1ec: {  	[sflag:s31] =	ssyncadd.s32 $0xFFFF3800  }
0x1ed: {  	[tilespmem:s9], [sflag:$0x4] =	stream.indirect.gather [hbm4b:s3+s11], $0x20, s11, s11, $0xb8;
	[tilespmem:$0x19C80] =	vst v63  }
0x1ee: {  	_ =	swait.ge [sflag:s14], $0xC800  }
0x1ef: {  	[sflag:s14] =	ssyncset.done $0x0  }
0x1f0: {  	s1 =	rddreg [dreg:$0x9];
	[sflag:s14] =	ssyncadd.s32 $0xFFFF3800  }
0x1f1: {  	[hbm4b:s1+s2] =	stream.linear.scatter [tilespmem:s7], [sflag:$0x5], $0xC800, $0x38;
	[tilespmem:$0x19C80] =	vst v63  }
0x1f2: {  	s6 =	rddreg [dreg:$0xa]  }
0x1f3: {  	[tilespmem:s2], [sflag:$0x1] =	stream.linear.gather [hbm4b:s6+s2], $0x640, $0x38;
	[tilespmem:$0x19C80] =	vst v63  }
0x1f4: {  	_ =	swait.ge [sflag:s19], $0x640  }
0x1f5: {  	[sflag:s19] =	ssyncset.done $0x0  }
0x1f6: {  	[sflag:s19] =	ssyncadd.s32 $0xFFFFF9C0  }
0x1f7: {  	_ =	swait.ge [sflag:s8], $0xC800  }
0x1f8: {  	[sflag:s8] =	ssyncset.done $0x0  }
0x1f9: {  	[sflag:s8] =	ssyncadd.s32 $0xFFFF3800  }
0x1fa: {  	[tilespmem:s7], [sflag:$0x3] =	stream.indirect.gather [hbm4b:s3+s11], $0x20, s2, s11, $0xb8;
	[tilespmem:$0x19C80] =	vst v63  }
0x1fb: {  	_ =	swait.ge [sflag:s13], $0xC800  }
0x1fc: {  	[sflag:s13] =	ssyncset.done $0x0  }
0x1fd: {  	s1 =	rddreg [dreg:$0xb];
	[sflag:s13] =	ssyncadd.s32 $0xFFFF3800  }
0x1fe: {  	[hbm4b:s1+s2] =	stream.linear.scatter [tilespmem:s9], [sflag:$0x6], $0xC800, $0x38;
	[tilespmem:$0x19C80] =	vst v63  }
0x1ff: {  	s6 =	rddreg [dreg:$0xc]  }
0x200: {  	[tilespmem:s11], [sflag:$0x2] =	stream.linear.gather [hbm4b:s6+s2], $0x640, $0x38;
	[tilespmem:$0x19C80] =	vst v63  }
0x201: {  	_ =	swait.ge [sflag:s17], $0x640  }
0x202: {  	[sflag:s17] =	ssyncset.done $0x0  }
0x203: {  	[sflag:s17] =	ssyncadd.s32 $0xFFFFF9C0  }
0x204: {  	_ =	swait.ge [sflag:s31], $0xC800  }
0x205: {  	[sflag:s31] =	ssyncset.done $0x0  }
0x206: {  	[sflag:s31] =	ssyncadd.s32 $0xFFFF3800  }
0x207: {  	[tilespmem:s9], [sflag:$0x4] =	stream.indirect.gather [hbm4b:s3+s11], $0x20, s11, s11, $0xb8;
	[tilespmem:$0x19C80] =	vst v63  }
0x208: {  	_ =	swait.ge [sflag:s14], $0xC800  }
0x209: {  	[sflag:s14] =	ssyncset.done $0x0  }
0x20a: {  	s1 =	rddreg [dreg:$0xd];
	[sflag:s14] =	ssyncadd.s32 $0xFFFF3800  }
0x20b: {  	[hbm4b:s1+s2] =	stream.linear.scatter [tilespmem:s7], [sflag:$0x5], $0xC800, $0x38;
	[tilespmem:$0x19C80] =	vst v63  }
0x20c: {  	s6 =	rddreg [dreg:$0xe]  }
0x20d: {  	[tilespmem:s2], [sflag:$0x1] =	stream.linear.gather [hbm4b:s6+s2], $0x640, $0x38;
	[tilespmem:$0x19C80] =	vst v63  }
0x20e: {  	_ =	swait.ge [sflag:s19], $0x640  }
0x20f: {  	[sflag:s19] =	ssyncset.done $0x0  }
0x210: {  	[sflag:s19] =	ssyncadd.s32 $0xFFFFF9C0  }
0x211: {  	_ =	swait.ge [sflag:s8], $0xC800  }
0x212: {  	[sflag:s8] =	ssyncset.done $0x0  }
0x213: {  	[sflag:s8] =	ssyncadd.s32 $0xFFFF3800  }
0x214: {  	[tilespmem:s7], [sflag:$0x3] =	stream.indirect.gather [hbm4b:s3+s11], $0x20, s2, s11, $0xb8;
	[tilespmem:$0x19C80] =	vst v63  }
0x215: {  	_ =	swait.ge [sflag:s13], $0xC800  }
0x216: {  	[sflag:s13] =	ssyncset.done $0x0  }
0x217: {  	s1 =	rddreg [dreg:$0xf];
	[sflag:s13] =	ssyncadd.s32 $0xFFFF3800  }
0x218: {  	[hbm4b:s1+s2] =	stream.linear.scatter [tilespmem:s9], [sflag:$0x6], $0xC800, $0x38;
	[tilespmem:$0x19C80] =	vst v63  }
0x219: {  	s6 =	rddreg [dreg:$0x10]  }
0x21a: {  	[tilespmem:s11], [sflag:$0x2] =	stream.linear.gather [hbm4b:s6+s2], $0x640, $0x38;
	[tilespmem:$0x19C80] =	vst v63  }
0x21b: {  	_ =	swait.ge [sflag:s17], $0x640  }
0x21c: {  	[sflag:s17] =	ssyncset.done $0x0  }
0x21d: {  	[sflag:s17] =	ssyncadd.s32 $0xFFFFF9C0  }
0x21e: {  	_ =	swait.ge [sflag:s31], $0xC800  }
0x21f: {  	[sflag:s31] =	ssyncset.done $0x0  }
0x220: {  	[sflag:s31] =	ssyncadd.s32 $0xFFFF3800  }
0x221: {  	[tilespmem:s9], [sflag:$0x4] =	stream.indirect.gather [hbm4b:s3+s11], $0x20, s11, s11, $0xb8;
	[tilespmem:$0x19C80] =	vst v63  }
0x222: {  	_ =	swait.ge [sflag:s14], $0xC800  }
0x223: {  	[sflag:s14] =	ssyncset.done $0x0  }
0x224: {  	[sflag:s14] =	ssyncadd.s32 $0xFFFF3800  }
0x225: {  	[hbm4b:s30+s2] =	stream.linear.scatter [tilespmem:s7], [sflag:$0x5], $0xC800, $0x38;
	[tilespmem:$0x19C80] =	vst v63  }
0x226: {  	_ = 	snop  }
0x227: {  	[tilespmem:s2], [sflag:$0x1] =	stream.linear.gather [hbm4b:s4+s2], $0x640, $0x38;
	[tilespmem:$0x19C80] =	vst v63  }
0x228: {  	_ =	swait.ge [sflag:s19], $0x640  }
0x229: {  	[sflag:s19] =	ssyncset.done $0x0  }
0x22a: {  	[sflag:s19] =	ssyncadd.s32 $0xFFFFF9C0  }
0x22b: {  	_ =	swait.ge [sflag:s8], $0xC800  }
0x22c: {  	[sflag:s8] =	ssyncset.done $0x0  }
0x22d: {  	[sflag:s8] =	ssyncadd.s32 $0xFFFF3800  }
0x22e: {  	[tilespmem:s7], [sflag:$0x3] =	stream.indirect.gather [hbm4b:s3+s11], $0x20, s2, s11, $0xb8;
	[tilespmem:$0x19C80] =	vst v63  }
0x22f: {  	_ =	swait.ge [sflag:s13], $0xC800  }
0x230: {  	[sflag:s13] =	ssyncset.done $0x0  }
0x231: {  	[sflag:s13] =	ssyncadd.s32 $0xFFFF3800  }
0x232: {  	[hbm4b:s28+s2] =	stream.linear.scatter [tilespmem:s9], [sflag:$0x6], $0xC800, $0x38;
	[tilespmem:$0x19C80] =	vst v63  }
0x233: {  	_ = 	snop  }
0x234: {  	[tilespmem:s11], [sflag:$0x2] =	stream.linear.gather [hbm4b:s29+s2], $0x640, $0x38;
	[tilespmem:$0x19C80] =	vst v63  }
0x235: {  	_ =	swait.ge [sflag:s17], $0x640  }
0x236: {  	[sflag:s17] =	ssyncset.done $0x0  }
0x237: {  	[sflag:s17] =	ssyncadd.s32 $0xFFFFF9C0  }
0x238: {  	_ =	swait.ge [sflag:s31], $0xC800  }
0x239: {  	[sflag:s31] =	ssyncset.done $0x0  }
0x23a: {  	[sflag:s31] =	ssyncadd.s32 $0xFFFF3800  }
0x23b: {  	[tilespmem:s9], [sflag:$0x4] =	stream.indirect.gather [hbm4b:s3+s11], $0x20, s11, s11, $0xb8;
	[tilespmem:$0x19C80] =	vst v63  }
0x23c: {  	_ =	swait.ge [sflag:s14], $0xC800  }
0x23d: {  	[sflag:s14] =	ssyncset.done $0x0  }
0x23e: {  	[sflag:s14] =	ssyncadd.s32 $0xFFFF3800  }
0x23f: {  	[hbm4b:s25+s2] =	stream.linear.scatter [tilespmem:s7], [sflag:$0x5], $0xC800, $0x38;
	[tilespmem:$0x19C80] =	vst v63  }
0x240: {  	_ = 	snop  }
0x241: {  	[tilespmem:s2], [sflag:$0x1] =	stream.linear.gather [hbm4b:s26+s2], $0x640, $0x38;
	[tilespmem:$0x19C80] =	vst v63  }
0x242: {  	_ =	swait.ge [sflag:s19], $0x640  }
0x243: {  	[sflag:s19] =	ssyncset.done $0x0  }
0x244: {  	[sflag:s19] =	ssyncadd.s32 $0xFFFFF9C0  }
0x245: {  	_ =	swait.ge [sflag:s8], $0xC800  }
0x246: {  	[sflag:s8] =	ssyncset.done $0x0  }
0x247: {  	[sflag:s8] =	ssyncadd.s32 $0xFFFF3800  }
0x248: {  	[tilespmem:s7], [sflag:$0x3] =	stream.indirect.gather [hbm4b:s3+s11], $0x20, s2, s11, $0xb8;
	[tilespmem:$0x19C80] =	vst v63  }
0x249: {  	_ =	swait.ge [sflag:s13], $0xC800  }
0x24a: {  	[sflag:s13] =	ssyncset.done $0x0  }
0x24b: {  	[sflag:s13] =	ssyncadd.s32 $0xFFFF3800  }
0x24c: {  	[hbm4b:s23+s2] =	stream.linear.scatter [tilespmem:s9], [sflag:$0x6], $0xC800, $0x38;
	[tilespmem:$0x19C80] =	vst v63  }
0x24d: {  	_ = 	snop  }
0x24e: {  	[tilespmem:s11], [sflag:$0x2] =	stream.linear.gather [hbm4b:s24+s2], $0x640, $0x38;
	[tilespmem:$0x19C80] =	vst v63  }
0x24f: {  	_ =	swait.ge [sflag:s17], $0x640  }
0x250: {  	[sflag:s17] =	ssyncset.done $0x0  }
0x251: {  	[sflag:s17] =	ssyncadd.s32 $0xFFFFF9C0  }
0x252: {  	_ =	swait.ge [sflag:s31], $0xC800  }
0x253: {  	[sflag:s31] =	ssyncset.done $0x0  }
0x254: {  	[sflag:s31] =	ssyncadd.s32 $0xFFFF3800  }
0x255: {  	[tilespmem:s9], [sflag:$0x4] =	stream.indirect.gather [hbm4b:s3+s11], $0x20, s11, s11, $0xb8;
	[tilespmem:$0x19C80] =	vst v63  }
0x256: {  	_ =	swait.ge [sflag:s14], $0xC800  }
0x257: {  	[sflag:s14] =	ssyncset.done $0x0  }
0x258: {  	[sflag:s14] =	ssyncadd.s32 $0xFFFF3800  }
0x259: {  	[hbm4b:s21+s2] =	stream.linear.scatter [tilespmem:s7], [sflag:$0x5], $0xC800, $0x38;
	[tilespmem:$0x19C80] =	vst v63  }
0x25a: {  	_ = 	snop  }
0x25b: {  	[tilespmem:s2], [sflag:$0x1] =	stream.linear.gather [hbm4b:s22+s2], $0x640, $0x38;
	[tilespmem:$0x19C80] =	vst v63  }
0x25c: {  	_ =	swait.ge [sflag:s19], $0x640  }
0x25d: {  	[sflag:s19] =	ssyncset.done $0x0  }
0x25e: {  	[sflag:s19] =	ssyncadd.s32 $0xFFFFF9C0  }
0x25f: {  	_ =	swait.ge [sflag:s8], $0xC800  }
0x260: {  	[sflag:s8] =	ssyncset.done $0x0  }
0x261: {  	[sflag:s8] =	ssyncadd.s32 $0xFFFF3800  }
0x262: {  	[tilespmem:s7], [sflag:$0x3] =	stream.indirect.gather [hbm4b:s3+s11], $0x20, s2, s11, $0xb8;
	[tilespmem:$0x19C80] =	vst v63  }
0x263: {  	_ =	swait.ge [sflag:s13], $0xC800  }
0x264: {  	[sflag:s13] =	ssyncset.done $0x0  }
0x265: {  	s30 =	rddreg [dreg:$0x12];
	[sflag:s13] =	ssyncadd.s32 $0xFFFF3800  }
0x266: {  	[hbm4b:s30+s2] =	stream.linear.scatter [tilespmem:s9], [sflag:$0x6], $0xC800, $0x38;
	[tilespmem:$0x19C80] =	vst v63  }
0x267: {  	_ = 	snop  }
0x268: {  	[tilespmem:s11], [sflag:$0x2] =	stream.linear.gather [hbm4b:s20+s2], $0x640, $0x38;
	[tilespmem:$0x19C80] =	vst v63  }
0x269: {  	_ =	swait.ge [sflag:s17], $0x640  }
0x26a: {  	[sflag:s17] =	ssyncset.done $0x0  }
0x26b: {  	[sflag:s17] =	ssyncadd.s32 $0xFFFFF9C0  }
0x26c: {  	_ =	swait.ge [sflag:s31], $0xC800  }
0x26d: {  	[sflag:s31] =	ssyncset.done $0x0  }
0x26e: {  	[sflag:s31] =	ssyncadd.s32 $0xFFFF3800  }
0x26f: {  	[tilespmem:s9], [sflag:$0x4] =	stream.indirect.gather [hbm4b:s3+s11], $0x20, s11, s11, $0xb8;
	[tilespmem:$0x19C80] =	vst v63  }
0x270: {  	_ =	swait.ge [sflag:s14], $0xC800  }
0x271: {  	[sflag:s14] =	ssyncset.done $0x0  }
0x272: {  	[sflag:s14] =	ssyncadd.s32 $0xFFFF3800  }
0x273: {  	[hbm4b:s16+s2] =	stream.linear.scatter [tilespmem:s7], [sflag:$0x5], $0xC800, $0x38;
	[tilespmem:$0x19C80] =	vst v63  }
0x274: {  	_ = 	snop  }
0x275: {  	[tilespmem:s2], [sflag:$0x1] =	stream.linear.gather [hbm4b:s18+s2], $0x640, $0x38;
	[tilespmem:$0x19C80] =	vst v63  }
0x276: {  	_ =	swait.ge [sflag:s19], $0x640  }
0x277: {  	[sflag:s19] =	ssyncset.done $0x0  }
0x278: {  	[sflag:s19] =	ssyncadd.s32 $0xFFFFF9C0  }
0x279: {  	_ =	swait.ge [sflag:s8], $0xC800  }
0x27a: {  	[sflag:s8] =	ssyncset.done $0x0  }
0x27b: {  	[sflag:s8] =	ssyncadd.s32 $0xFFFF3800  }
0x27c: {  	[tilespmem:s7], [sflag:$0x3] =	stream.indirect.gather [hbm4b:s3+s11], $0x20, s2, s11, $0xb8;
	[tilespmem:$0x19C80] =	vst v63  }
0x27d: {  	_ =	swait.ge [sflag:s13], $0xC800  }
0x27e: {  	[sflag:s13] =	ssyncset.done $0x0  }
0x27f: {  	[sflag:s13] =	ssyncadd.s32 $0xFFFF3800  }
0x280: {  	[hbm4b:s12+s2] =	stream.linear.scatter [tilespmem:s9], [sflag:$0x6], $0xC800, $0x38;
	[tilespmem:$0x19C80] =	vst v63  }
0x281: {  	_ = 	snop  }
0x282: {  	[tilespmem:s11], [sflag:$0x2] =	stream.linear.gather [hbm4b:s15+s2], $0x640, $0x38;
	[tilespmem:$0x19C80] =	vst v63  }
0x283: {  	_ =	swait.ge [sflag:s17], $0x640  }
0x284: {  	[sflag:s17] =	ssyncset.done $0x0  }
0x285: {  	[sflag:s17] =	ssyncadd.s32 $0xFFFFF9C0  }
0x286: {  	_ =	swait.ge [sflag:s31], $0xC800  }
0x287: {  	[sflag:s31] =	ssyncset.done $0x0  }
0x288: {  	[sflag:s31] =	ssyncadd.s32 $0xFFFF3800  }
0x289: {  	[tilespmem:s9], [sflag:$0x4] =	stream.indirect.gather [hbm4b:s3+s11], $0x20, s11, s11, $0xb8;
	[tilespmem:$0x19C80] =	vst v63  }
0x28a: {  	_ =	swait.ge [sflag:s14], $0xC800  }
0x28b: {  	[sflag:s14] =	ssyncset.done $0x0  }
0x28c: {  	[sflag:s14] =	ssyncadd.s32 $0xFFFF3800  }
0x28d: {  	[hbm4b:s10+s2] =	stream.linear.scatter [tilespmem:s7], [sflag:$0x5], $0xC800, $0x38;
	[tilespmem:$0x19C80] =	vst v63  }
0x28e: {  	_ =	swait.ge [sflag:s13], $0xC800  }
0x28f: {  	[sflag:s13] =	ssyncset.done $0x0  }
0x290: {  	[sflag:s13] =	ssyncadd.s32 $0xFFFF3800  }
0x291: {  	[hbm4b:s5+s2] =	stream.linear.scatter [tilespmem:s9], [sflag:$0x6], $0xC800, $0x38;
	[tilespmem:$0x19C80] =	vst v63  }
0x292: {  	_ =	swait.ge [sflag:s8], $0xC800  }
0x293: {  	[sflag:s8] =	ssyncset.done $0x0  }
0x294: {  	[sflag:s8] =	ssyncadd.s32 $0xFFFF3800  }
0x295: {  	_ =	swait.ge [sflag:s31], $0xC800  }
0x296: {  	[sflag:s31] =	ssyncset.done $0x0  }
0x297: {  	[sflag:s31] =	ssyncadd.s32 $0xFFFF3800  }
0x298: {  	_ =	sfence.sel $0x180000  }
0x299: {  	[bflag:$0x0] =	sbarrier.arrive $0xFFFF  }
0x29a: {  	_ =	strace $0x90000047  }
0x29b: {  	s31 =	stileid.u32;
	[bflag:$0x2] =	sbarrier.arrive $0xFFFF  }
0x29c: {  	p0 =	sne.s32 s31, $0x0;
	s0 =	rddreg [dreg:$0x2]  }
0x29d: {  	s0 =	sadd.s32 @!p0 $0x100000, s0  }
0x29e: {  	[sflag:s0] =	ssyncadd.tile.s32 @!p0 $0x1;
	_ =	shalt  }
.Lfunc_end2:
_tile_overlayer_lowered:
.L_overlay_start_2:
0x29f: {  	(tag) =	ssettag $0x2  }
0x2a0: {  	s0 =	rddreg [dreg:$0x0];
	s2 =	stileid.u32  }
0x2a1: {  	s1 =	rddreg [dreg:$0x1];
	p0 =	sne.s32 s2, $0x0  }
0x2a2: {  	s3 =	rddreg [dreg:$0x2];
	[bflag:$0x3] =	sbarrier.arrive $0xFFFF;
	s2 =	simm.s32 @!p0 $0x1C07  }
0x2a3: {  	[timem:s3], [sflag:s2] =	dma.local @!p0 [hbm:s0], s1  }
0x2a4: {  	s0 =	simm.s32 @!p0 $0x7  }
0x2a5: {  	_ =	swait.ge @!p0 [sflag:s0], s1  }
0x2a6: {  	s1 =	ssub.s32 @!p0 $0x0, s1;
	[sflag:s0] =	ssyncset.done @!p0 $0x0  }
0x2a7: {  	[sflag:s0] =	ssyncadd.s32 @!p0 s1  }
0x2a8: {  	[bflag:$0x3] =	sbarrier.arrive $0xFFFF  }
0x2a9: {  	_ =	shalt  }

// kernel: sparse-core-data-format-call.cloned.1.call-start
scs
called_computation_lowered:
.L_overlay_start_0:
0x0: {  	s2 =	sld [smem:$0x3FD9]  }
0x1: {  	s3 =	sld [smem:$0x3FFE];
	_ =	sdelay $0x1  }
0x2: {  	s1 =	srdreg.scid  }
0x3: {  	s0 =	sand.u32 $0x1, s1  }
0x4: {  	s18 =	sshll.u32 s0, $0xA;
	s2 =	sadd.s32 s3, s2  }
0x5: {  	s2 =	sadd.s32 s2, s18  }
0x6: {  	[smem:$0x3FC6] =	sst s2  }
0x7: {  	_ = 	snop  }
0x8: {  	s2 =	sld [smem:$0x3FD0];
	(tm) =	ssettm $0x1  }
0x9: {  	s19 =	sld [smem:$0x3FFB];
	_ =	sdelay $0x3  }
0xa: {  	_ =	strace s19  }
0xb: {  	s3 =	sld [smem:$0x3FFC];
	_ =	sdelay $0x3  }
0xc: {  	_ =	strace s3  }
0xd: {  	s3 =	sld [smem:$0x3FFD];
	_ =	sdelay $0x3  }
0xe: {  	_ =	strace s3  }
0xf: {  	_ =	strace $0x8FFFFFFF  }
0x10: {  	s20 =	sld [smem:$0x3FDB];
	_ =	sdelay $0x1  }
0x11: {  	s4 =	simm.s32 $_scs_section_size  }
0x12: {  	s5 =	simm.s32 $_size__tile_overlayer_lowered;
	s6 =	simm.s32 $_tile_overlayer_lowered  }
0x13: {  	s23 =	simm.s32 $0x1BFF;
	s22 =	sshll.u32 s6, $0x1;
	s3 =	sadd.s32 s4, s20  }
0x14: {  	s7 =	simm.s32 $0x0;
	s21 =	sshll.u32 s5, $0x1;
	s5 =	sadd.s32 s22, s3  }
0x15: {  	[timem:s7], [sflag:s23] =	dma.local [hbm:s5], s21  }
0x16: {  	_ =	swait.ge [sflag:s23], s21  }
0x17: {  	s4 =	ssub.s32 $0x0, s21;
	[sflag:s23] =	ssyncset.done $0x0  }
0x18: {  	[sflag:s23] =	ssyncadd.s32 s4;
	_ =	sdelay $0x1  }
0x19: {  	s24 =	simm.s32 $0x1B8B  }
0x1a: {  	_ =	swait.ge [sflag:s24], $0x1  }
0x1b: {  	[sflag:s24] =	ssyncset.done $0x0  }
0x1c: {  	s26 =	simm.s32 $0x1B8E;
	s25 =	sld [smem:$0x3FFE];
	[sflag:s24] =	ssyncadd.s32 $0xFFFFFFFF  }
0x1d: {  	s27 =	simm.s32 $execute0_lowered;
	[smem:$0x3FD2] =	sst s26  }
0x1e: {  	s5 =	sshll.u32 s27, $0x1;
	_ =	strace $0x80000049;
	[dreg:$0x1] =	wrdreg $0xFFFFFFFF  }
0x1f: {  	s28 =	simm.s32 $_size_execute0_lowered;
	s3 =	sadd.s32 s3, s5;
	[dreg:$0x0] =	wrdreg $0x0  }
0x20: {  	s5 =	sshll.u32 s28, $0x1;
	[dreg:$0x2] =	wrdreg s3  }
0x21: {  	[dreg:$0x3] =	wrdreg s5  }
0x22: {  	[dreg:$0x4] =	wrdreg $0xC0  }
0x23: {  	_ =	task [dreg:s7], $0x5FFFF  }
0x24: {  	[dreg:$0x1] =	wrdreg $0xFFFFFFFF  }
0x25: {  	[dreg:$0x0] =	wrdreg $0x60  }
0x26: {  	[dreg:$0x2] =	wrdreg s25  }
0x27: {  	[dreg:$0x3] =	wrdreg s2  }
0x28: {  	[dreg:$0x4] =	wrdreg $0x9  }
0x29: {  	_ =	task.clear_ibuf [dreg:s7], $0x5FFFF;
	_ =	strace $0x90000049  }
0x2a: {  	s29 =	simm.s32 $0x9;
	_ =	strace $0x8000004B  }
0x2b: {  	_ =	swait.ge [sflag:s29], $0x1  }
0x2c: {  	[sflag:s29] =	ssyncadd.s32 $0xFFFFFFFF  }
0x2d: {  	_ =	strace $0x9000004B  }
0x2e: {  	_ =	sfence  }
0x2f: {  	s30 =	sld [smem:$0x0];
	_ =	sdelay $0x2  }
0x30: {  	s31 =	sshll.u32 s1, $0xD;
	s1 =	sshrl.u32 s1, $0x2  }
0x31: {  	s3 =	sand.u32 $0x4000, s31;
	s1 =	sadd.s32 s1, s30  }
0x32: {  	s0 =	sor.u32 s3, s0;
	s1 =	sshll.u32 s1, $0x11  }
0x33: {  	s0 =	sor.u32 s1, s0  }
0x34: {  	s0 =	sadd.s32 $0x8F2B, s0  }
0x35: {  	[sflag:s0] =	ssyncadd.remote.s32 $0x1  }
0x36: {  	_ =	sfence.sel $0xFFFF  }
0x37: {  	[dreg:$0x0] =	wrdreg $0xFFFFFFFF;
	(pc) =	sbr.abs _section_cstart, $3  }
0x38: {  	[dreg:$0x1] =	wrdreg $0xFFFFFFFF  }
0x39: {  	_ =	task.clear_ibuf [dreg:s7], $0x2FFFF;
	_ =	strace $0x9FFFFFFF  }
0x3a: {  	(tm) =	ssettm $0x7FFFFFFF  }
0x3b: {  	_ =	shalt  }
tec
execute0_lowered:
.L_overlay_start_1:
0x0: {  	(tag) =	ssettag $0x1  }
0x1: {  	s0 =	srdreg.scid  }
0x2: {  	s1 =	sshll.u32 s0, $0x4  }
0x3: {  	s0 =	stileid.u32;
	s1 =	sand.u32 $0x10, s1  }
0x4: {  	s1 =	sor.u32 s0, s1  }
0x5: {  	s6 =	rddreg [dreg:$0x0];
	s4 =	simm.s32 $0x1;
	s2 =	sshll.u32 s1, $0x7  }
0x6: {  	s7 =	simm.s32 $0x2;
	s12 =	simm.s32 $0x0;
	s1 =	ssub.s32 $0x1000, s2  }
0x7: {  	s8 =	simm.s32 $0x8000;
	s13 =	simm.s32 $0x0;
	s3 =	sand.u32 $0xF80, s1  }
0x8: {  	s9 =	simm.s32 $0x0;
	s5 =	sshrl.u32 s1, $0xC;
	p0 =	sne.s32 s3, $0x0  }
.Ltmp0:
0x9: {  	s1 =	rddreg [dreg:$0x2];
	s4 =	simm.s32 @!p0 $0x0;
	(pc) =	sbr.rel .LBB1_1-.Ltmp0, $4  }
0xa: {  	s11 =	simm.s32 $0x0;
	s3 =	rddreg [dreg:$0x1];
	s5 =	sadd.s32 s4, s5  }
0xb: {  	_ =	strace $0x8000004A;
	s4 =	simm.s32 $0x1;
	s5 =	smul.u32 $0xC8, s5  }
0xc: {  	s6 =	sadd.s32 $0xA00, s6;
	s10 =	smov.u32 s2;
	[sflag:s4] =	ssyncpa.u1 $0x0  }
0xd: {  	p0 =	por $0x0, $0x0;
	[sflag:s7] =	ssyncpa.u1 $0x0;
	s7 =	sor.u32 $0x1, s5  }
.LBB1_4:
0xe: {  	s16 =	sshll.u32 s13, $0x3;
	s17 =	sand.u32 $0x78, s13  }
0xf: {  	s30 =	sand.u32 $0x3E00, s13;
	s12 =	sshll.u32 s12, $0xE;
	s16 =	sand.u32 $0xC00, s16  }
0x10: {  	s31 =	sand.u32 $0x7, s13;
	s16 =	sor.u32 s17, s16;
	s17 =	sadd.s32 s3, s30  }
0x11: {  	s13 =	sshll.u32 s31, $0x12;
	s16 =	sshrl.u32 s16, $0x3;
	s12 =	sadd.s32 s12, s17  }
0x12: {  	[tilespmem:s15+$0x0 ss:$0x81] =	vst.msk $0xffff, v0;
	s13 =	sor.u32 $0x400, s13;
	s12 =	sadd.s32 s16, s12  }
0x13: {  	[hbm4b:s12+s13] =	stream.strided.scatter [tilespmem:s14], [sflag:$0x2], $0x1000, s8, s13, $0x20;
	[tilespmem:$0x4040] =	vst v63  }
.LBB1_5:
0x14: {  	s14 =	sadd.s32 $0x1, s9  }
0x15: {  	s12 =	sadd.s32 $0x1000, s10;
	s16 =	smov.u32 s10;
	p2 =	sgt.s32 s14, $0xC7  }
0x16: {  	s16 =	smov.u32 @p2 s12  }
0x17: {  	s14 =	simm.s32 @p2 $0x0;
	p2 =	sgt.s32 s16, $0xFFF  }
0x18: {  	s16 =	smov.u32 @p2 s2;
	p2 =	sne.s32 s11, s7  }
.Ltmp1:
0x19: {  	p1 =	slt.u32 s11, $0x2;
	(pc) =	sbr.rel @!p2 .LBB1_6-.Ltmp1, $4  }
0x1a: {  	s15 =	simm.s32 @!p1 $0x2  }
0x1b: {  	s13 =	smov.u32 s10;
	p0 =	por !p0, !p0;
	_ =	swait.ge @!p1 [sflag:s15], $0x1000  }
0x1c: {  	s12 =	smov.u32 s9;
	[sflag:s15] =	ssyncset.done @!p1 $0x0;
	s9 =	smov.u32 s14  }
0x1d: {  	s11 =	sadd.s32 $0x1, s11;
	[sflag:s15] =	ssyncadd.s32 @!p1 $0xFFFFF000;
	s10 =	smov.u32 s16  }
.LBB1_1:
0x1e: {  	p1 =	sge.u32 s11, s5  }
0x1f: {  	s14 =	sand.u32 @!p1 $0x1FFFFFF, s9  }
0x20: {  	s15 =	smulhi.u32 @!p1 $0x147AE15, s14;
	_ =	sdelay $0x1  }
0x21: {  	s15 =	smul.u32 @!p1 $0xC8, s15  }
0x22: {  	s16 =	sxor.u32 @!p1 $0xFFFFFFFF, s11;
	s17 =	smul.u32 @!p1 $0xC80, s10  }
0x23: {  	s31 =	sadd.s32 $0xFFFFFFFF, s11;
	s16 =	sshll.u32 @!p1 s16, $0xC;
	s14 =	ssub.s32 @!p1 s14, s15  }
0x24: {  	s15 =	sand.u32 @!p1 $0x1000, s16;
	s16 =	sadd.s32 @!p1 s6, s17;
	s14 =	sshll.u32 @!p1 s14, $0x4  }
0x25: {  	s17 =	simm.s32 @!p1 $0x6400;
	s14 =	sadd.s32 @!p1 s14, s16;
	s16 =	simm.s32 @!p1 $0x20  }
0x26: {  	[tilespmem:s15], [sflag:$0x1] =	stream.strided.gather @!p1 [hbm4b:s14+s16], $0x1000, s17, s16, $0x38;
	[tilespmem:$0x4040] =	vst v63  }
0x27: {  	p1 =	sge.u32 s31, s5  }
.Ltmp2:
0x28: {  	_ = 	snop;
	(pc) =	sbr.rel @p1 .LBB1_5-.Ltmp2, $1  }
0x29: {  	_ =	sdelay $0x3  }
0x2a: {  	s14 =	simm.s32 $0x1  }
0x2b: {  	_ =	swait.ge [sflag:s4], $0x1000;
	s14 =	simm.s32 @!p0 $0x0  }
0x2c: {  	[sflag:s4] =	ssyncset.done $0x0;
	s15 =	sshll.u32 s14, $0xC  }
0x2d: {  	[sflag:s4] =	ssyncadd.s32 $0xFFFFF000;
	s18 =	sor.u32 $0x10, s15  }
0x2e: {  	s14 =	smul.u32 $0x4080, s14;
	v1 =	vld [tilespmem:s18+$0x0]  }
0x2f: {  	s30 =	sand.u32 $0x1, s11;
	v0 =	vld [tilespmem:s18+$0xFFFFFFF0]  }
0x30: {  	s15 =	smul.u32 $0x4080, s30;
	s14 =	sshrl.u32 s14, $0x2  }
0x31: {  	s16 =	sor.u32 $0x2000, s14  }
0x32: {  	s31 =	sshrl.u32 s15, $0x2;
	s15 =	sadd.s32 $0x0, s16  }
0x33: {  	s17 =	simm.s32 $0x4;
	s18 =	sadd.s32 $0x20, s18;
	s14 =	sor.u32 $0x2000, s31;
	[tilespmem:s15+$0x810 ss:$0x81] =	vst.msk $0xffff, v1  }
.LBB1_3:
0x34: {  	v1 =	vld [tilespmem:s18+$0x0];
	p1 =	sne.s32 s17, $0x1FC;
	[tilespmem:s15+$0x0 ss:$0x81] =	vst.msk $0xffff, v0;
	s15 =	smov.u32 s17;
	s17 =	sadd.s32 $0x4, s17  }
.Ltmp3:
0x35: {  	v0 =	vld [tilespmem:s18+$0xFFFFFFF0];
	(pc) =	sbr.rel @p1 .LBB1_3-.Ltmp3, $4  }
0x36: {  	_ = 	snop  }
0x37: {  	s15 =	sshra.s32 s15, $0x2  }
0x38: {  	s15 =	sadd.s32 s15, s16  }
0x39: {  	s18 =	sadd.s32 $0x20, s18;
	[tilespmem:s15+$0x810 ss:$0x81] =	vst.msk $0xffff, v1  }
.Ltmp4:
0x3a: {  	_ = 	snop;
	(pc) =	sbr.rel .LBB1_4-.Ltmp4, $1  }
0x3b: {  	_ =	sdelay $0x3  }
.LBB1_6:
0x3c: {  	_ =	sfence.sel $0x180000  }
0x3d: {  	s2 =	simm.s32 $0x1;
	[bflag:$0x0] =	sbarrier.arrive $0xFFFF  }
0x3e: {  	s31 =	simm.s32 $0x2;
	[sflag:s2] =	ssyncpa.u1 $0x1  }
0x3f: {  	[sflag:s31] =	ssyncpa.u1 $0x1  }
0x40: {  	p0 =	sne.s32 s0, $0x0;
	_ =	strace $0x9000004A  }
0x41: {  	s0 =	sadd.s32 @!p0 $0x100000, s1;
	[bflag:$0x2] =	sbarrier.arrive $0xFFFF  }
0x42: {  	[sflag:s0] =	ssyncadd.tile.s32 @!p0 $0x1;
	_ =	shalt  }
.Lfunc_end1:
_tile_overlayer_lowered:
.L_overlay_start_2:
0x43: {  	(tag) =	ssettag $0x2  }
0x44: {  	s0 =	rddreg [dreg:$0x0];
	s2 =	stileid.u32  }
0x45: {  	s1 =	rddreg [dreg:$0x1];
	p0 =	sne.s32 s2, $0x0  }
0x46: {  	s3 =	rddreg [dreg:$0x2];
	[bflag:$0x3] =	sbarrier.arrive $0xFFFF;
	s2 =	simm.s32 @!p0 $0x1C01  }
0x47: {  	[timem:s3], [sflag:s2] =	dma.local @!p0 [hbm:s0], s1  }
0x48: {  	s0 =	simm.s32 @!p0 $0x1  }
0x49: {  	_ =	swait.ge @!p0 [sflag:s0], s1  }
0x4a: {  	s1 =	ssub.s32 @!p0 $0x0, s1;
	[sflag:s0] =	ssyncset.done @!p0 $0x0  }
0x4b: {  	[sflag:s0] =	ssyncadd.s32 @!p0 s1  }
0x4c: {  	[bflag:$0x3] =	sbarrier.arrive $0xFFFF  }
0x4d: {  	_ =	shalt  }

</sc_bundles>
